<compile_context>
chip_gen: v7x
topology: tpu7x:2x2x1
jax: 0.10.2.dev20260603
libtpu: 0.0.44.dev20260713+nightly
codegen_flags: <defaults>
</compile_context>

<pallas_src>
import functools

import jax
import jax.numpy as jnp
from jax import lax
from jax.experimental import pallas as pl
from jax.experimental.pallas import tpu as pltpu, tpu_sc as plsc

N = 10000
B = 20
NPG = 500
NPAD = 512
SW = 80
NBW = 48
PADCOL = NPAD - 1


def _mlp_apply(ps, x):
    n = len(ps)
    for i, (W, b) in enumerate(ps):
        x = x @ W + b
        if i < n - 1:
            x = jax.nn.relu(x)
    return x


def _gin(p, x, ei):
    agg = jax.ops.segment_sum(x[ei[0]], ei[1], num_segments=N)
    return _mlp_apply(p['mlp'], (1.0 + p['eps']) * x + agg)


def _bn(p, x):
    m = x.mean(0)
    v = x.var(0)
    return (x - m) / jnp.sqrt(v + 1e-5) * p['gamma'] + p['beta']


def _network(w, params, edge_index):
    x = w[:, None]
    x = jax.nn.relu(_bn(params['bn1'], _gin(params['conv1'], x, edge_index)))
    x = jax.nn.relu(_bn(params['bn2'], _gin(params['conv2'], x, edge_index)))
    x = jax.nn.relu(_bn(params['bn3'], _gin(params['conv3'], x, edge_index)))
    x = jax.nn.relu(_bn(params['bn5'], _gin(params['conv5'], x, edge_index)))
    prob = jax.nn.sigmoid(_gin(params['conv6'], x, edge_index))[:, 0]
    pd = prob.reshape(B, NPG)
    wd = w.reshape(B, NPG)
    gammas = wd.sum(1)
    src = edge_index[0]
    dst = edge_index[1]
    gb = src // NPG
    adj = jnp.zeros((B, NPG, NPG), dtype=jnp.float32).at[gb, src % NPG, dst % NPG].add(1.0)
    term1 = -(wd * pd).sum(1)
    term2 = jnp.einsum('bi,bij,bj->b', pd, adj, pd)
    thr = gammas + term1 + term2
    loss = thr.sum() / B
    return loss, pd, wd, adj, thr, gammas


def _extract_rows(M, width):
    nz = M != 0.0
    j = jnp.arange(NPG, dtype=jnp.int32)[None, None, :]
    key = jnp.where(nz, j + 1, 0)
    topv, _ = lax.top_k(key, width)
    cols = jnp.where(topv > 0, topv - 1, PADCOL)
    vals = jnp.where(topv > 0,
                     jnp.take_along_axis(M, jnp.clip(topv - 1, 0, NPG - 1), axis=2),
                     0.0)
    return cols, vals, nz.sum(axis=2).astype(jnp.int32)


_NC, _NS = 2, 16


def _decode_body(scols_h, svals_h, nbc_h, nbcnt_h, pd_h, wd_h, thrg_h, mis_h,
                 scols_v, svals_v, nbc_v, nbcnt_v, pc_v, wd_v, thrg_v,
                 keys_v, m_v, d_v, sel_v, out_v, order_v, rej_v):
    wid = lax.axis_index("s") * _NC + lax.axis_index("c")

    @pl.when(wid < B)
    def _():
        b = wid
        pltpu.sync_copy(scols_h.at[b], scols_v.at[pl.ds(0, NPG * SW)])
        pltpu.sync_copy(svals_h.at[b], svals_v.at[pl.ds(0, NPG * SW)])
        pltpu.sync_copy(nbc_h.at[b], nbc_v.at[pl.ds(0, NPG * NBW)])
        pltpu.sync_copy(nbcnt_h.at[b], nbcnt_v.at[pl.ds(0, NPAD)])
        pltpu.sync_copy(pd_h.at[b], pc_v.at[pl.ds(0, NPAD)])
        pltpu.sync_copy(wd_h.at[b], wd_v.at[pl.ds(0, NPAD)])
        pltpu.sync_copy(thrg_h.at[b], thrg_v)

        iota = lax.iota(jnp.int32, 16)
        zeros16 = jnp.zeros((16,), jnp.float32)

        def fextract(ref, idx, lane=0):
            v = ref[pl.ds(idx, 16)]
            return jnp.sum(jnp.where(iota == lane, v, 0.0))

        thr = fextract(thrg_v, 0, 0)
        g = fextract(thrg_v, 0, 1)
        zero_ld = thrg_v[pl.ds(16, 16)]
        one_ld = thrg_v[pl.ds(32, 16)]

        def init_chunk(ci, _):
            base = ci * 16
            pdv = pc_v[pl.ds(base, 16)]
            keys_v[pl.ds(base, 16)] = jnp.where(base + iota < NPG, pdv, -1.0)
            d_v[pl.ds(base, 16)] = zeros16
            sel_v[pl.ds(base, 16)] = jnp.zeros((16,), jnp.int32)
            rej_v[pl.ds(base, 16)] = jnp.zeros((16,), jnp.int32)
            out_v[pl.ds(base, 16)] = jnp.full((16,), -1, jnp.int32)
            m_v[pl.ds(base, 16)] = zeros16
            return 0
        lax.fori_loop(0, NPAD // 16, init_chunk, 0)

        def m_row(k, _):
            pk = fextract(pc_v, k)
            for cc in range(SW // 16):
                cols = scols_v[pl.ds(k * SW + cc * 16, 16)]
                vals = svals_v[pl.ds(k * SW + cc * 16, 16)]
                plsc.addupdate_scatter(m_v, [cols], pk * vals)
            return 0
        lax.fori_loop(0, NPG, m_row, 0)

        def dot_acc(ci, acc):
            base = ci * 16
            pcv = pc_v[pl.ds(base, 16)]
            return (acc[0] + pcv * m_v[pl.ds(base, 16)],
                    acc[1] + pcv * wd_v[pl.ds(base, 16)])
        accq, accw = lax.fori_loop(0, NPAD // 16, dot_acc, (zeros16, zeros16))
        q0 = 0.5 * jnp.sum(accq)
        sw0 = jnp.sum(accw)

        def find_max():
            def mx(ci, acc):
                return jnp.maximum(acc, keys_v[pl.ds(ci * 16, 16)])
            mv = lax.fori_loop(0, NPAD // 16, mx, jnp.full((16,), -2.0, jnp.float32))
            M = jnp.max(mv)

            def fi(ci, acc):
                kv = keys_v[pl.ds(ci * 16, 16)]
                cand = jnp.where(kv == M, ci * 16 + iota, 100000)
                return jnp.minimum(acc, cand)
            iv = lax.fori_loop(0, NPAD // 16, fi, jnp.full((16,), 100000, jnp.int32))
            return M, jnp.min(iv)

        def presort(i, _):
            _M, node = find_max()
            kbase = (node // 16) * 16
            koff = node % 16
            ch = keys_v[pl.ds(kbase, 16)]
            keys_v[pl.ds(kbase, 16)] = jnp.where(iota == koff, -1.0, ch)
            plsc.store_scatter(order_v, [jnp.full((16,), 0, jnp.int32) + i],
                               jnp.full((16,), 0, jnp.int32) + node, mask=iota == 0)
            return 0
        lax.fori_loop(0, NPG, presort, 0)

        def it(i, carry):
            q, sw = carry
            node = order_v[pl.ds(i, 16)][0]
            rejf = rej_v[pl.ds(node, 16)][0]
            nc = nbcnt_v[pl.ds(node, 16)][0]

            def skip():
                return (q, sw)

            def do_eval():
                nbase = node * NBW
                nbc = [nbc_v[pl.ds(nbase + cc * 16, 16)] for cc in range(NBW // 16)]
                selfnb = jnp.full((16,), False)
                for cc in range(NBW // 16):
                    selfnb = selfnb | (nbc[cc] == node)
                selfnb = jnp.any(selfnb)
                node_splat = jnp.full((16,), 0, jnp.int32) + node
                lane0 = iota == 0

                dv = [-plsc.load_gather(pc_v, [nbc[cc]]) for cc in range(NBW // 16)]
                for cc in range(NBW // 16):
                    plsc.store_scatter(d_v, [nbc[cc]], dv[cc])
                dnode = jnp.where(selfnb, 0.0, 1.0 - fextract(pc_v, node))
                dnode_vec = 1.0 - plsc.load_gather(pc_v, [node_splat])
                tidx = jnp.full((16,), 0, jnp.int32) + jnp.where(selfnb, NPAD, node)
                plsc.store_scatter(d_v, [tidx], dnode_vec, mask=lane0)

                accl = zeros16
                accm = zeros16
                for cc in range(NBW // 16):
                    accl = accl + dv[cc] * plsc.load_gather(wd_v, [nbc[cc]])
                    accm = accm + dv[cc] * plsc.load_gather(m_v, [nbc[cc]])
                lwd = jnp.sum(accl) + fextract(wd_v, node) * dnode
                dm = jnp.sum(accm) + fextract(m_v, node) * dnode

                def row_dot(r):
                    acc = zeros16
                    for cc in range(SW // 16):
                        cols = scols_v[pl.ds(r * SW + cc * 16, 16)]
                        vals = svals_v[pl.ds(r * SW + cc * 16, 16)]
                        acc = acc + vals * plsc.load_gather(d_v, [cols])
                    return jnp.sum(acc)

                def kb(k, acc):
                    r = nbc_v[pl.ds(nbase + k, 16)][0]
                    return acc + fextract(d_v, r) * row_dot(r)
                dSd = lax.fori_loop(0, nc, kb, jnp.float32(0.0))
                dSd = dSd + jnp.where(selfnb, 0.0, dnode * row_dot(node))

                quad_new = q + dm + 0.5 * dSd
                lw_new = sw + lwd
                l = g - lw_new + quad_new
                upd = (l <= thr) & (nc > 0) & (rejf == 0)

                selv = jnp.where((nc == 0) | upd, 1, 0)
                plsc.store_scatter(sel_v, [node_splat],
                                   jnp.full((16,), 0, jnp.int32) + selv, mask=lane0)

                @pl.when(upd)
                def _():
                    for cc in range(NBW // 16):
                        plsc.store_scatter(rej_v, [nbc[cc]], nbc[cc] + 1)
                        plsc.store_scatter(pc_v, [nbc[cc]], zero_ld)
                    pidx = jnp.full((16,), 0, jnp.int32) + jnp.where(selfnb, NPAD, node)
                    plsc.store_scatter(pc_v, [pidx], one_ld, mask=lane0)

                    def kb2(k, _):
                        r = nbc_v[pl.ds(nbase + k, 16)][0]
                        dr_vec = plsc.load_gather(d_v, [jnp.full((16,), 0, jnp.int32) + r])
                        for cc in range(SW // 16):
                            cols = scols_v[pl.ds(r * SW + cc * 16, 16)]
                            vals = svals_v[pl.ds(r * SW + cc * 16, 16)]
                            plsc.addupdate_scatter(m_v, [cols], dr_vec * vals)
                        return 0
                    lax.fori_loop(0, nc, kb2, 0)

                    @pl.when(~selfnb)
                    def _():
                        dn_vec = plsc.load_gather(d_v, [node_splat])
                        for cc in range(SW // 16):
                            cols = scols_v[pl.ds(node * SW + cc * 16, 16)]
                            vals = svals_v[pl.ds(node * SW + cc * 16, 16)]
                            plsc.addupdate_scatter(m_v, [cols], dn_vec * vals)

                for cc in range(NBW // 16):
                    plsc.store_scatter(d_v, [nbc[cc]], zero_ld)
                plsc.store_scatter(d_v, [node_splat], zero_ld, mask=lane0)

                return (jnp.where(upd, quad_new, q), jnp.where(upd, lw_new, sw))

            return lax.cond((rejf == 0) | (nc == 0), do_eval, skip)

        lax.fori_loop(0, NPG, it, (q0, sw0))

        def comp(ci, pos):
            sv = sel_v[pl.ds(ci * 16, 16)]
            mask = sv != 0
            idxv = ci * 16 + iota
            pref = plsc.cumsum(jnp.where(mask, 1, 0))
            positions = pos + pref - 1
            plsc.store_scatter(out_v, [positions], idxv, mask=mask)
            cnt = plsc.all_reduce_population_count(mask)
            return pos + jnp.max(cnt)
        lax.fori_loop(0, NPAD // 16, comp, jnp.int32(0))

        pltpu.sync_copy(out_v, mis_h.at[b])


@functools.partial(jax.jit, static_argnames=())
def _decode_sc(scols, svals, nbc, nbcnt, pd0, wd0, thrg):
    mesh = plsc.VectorSubcoreMesh(core_axis_name="c", subcore_axis_name="s", num_cores=2, num_subcores=16)
    f = pl.kernel(
        _decode_body,
        out_type=jax.ShapeDtypeStruct((B, NPAD), jnp.int32),
        mesh=mesh,
        compiler_params=pltpu.CompilerParams(
            needs_layout_passes=False, use_tc_tiling_on_sc=False),
        scratch_types=[
            pltpu.VMEM((NPG * SW + 16,), jnp.int32),
            pltpu.VMEM((NPG * SW + 16,), jnp.float32),
            pltpu.VMEM((NPG * NBW + 16,), jnp.int32),
            pltpu.VMEM((NPAD + 16,), jnp.int32),
            pltpu.VMEM((NPAD + 16,), jnp.float32),
            pltpu.VMEM((NPAD + 16,), jnp.float32),
            pltpu.VMEM((64,), jnp.float32),
            pltpu.VMEM((NPAD,), jnp.float32),
            pltpu.VMEM((NPAD + 16,), jnp.float32),
            pltpu.VMEM((NPAD + 16,), jnp.float32),
            pltpu.VMEM((NPAD,), jnp.int32),
            pltpu.VMEM((NPAD,), jnp.int32),
            pltpu.VMEM((NPAD + 16,), jnp.int32),
            pltpu.VMEM((NPAD + 16,), jnp.int32),
        ],
    )
    return f(scols.reshape(B, NPG * SW), svals.reshape(B, NPG * SW),
             nbc.reshape(B, NPG * NBW), nbcnt, pd0, wd0, thrg)


def kernel(w, params, edge_index, batch):
    loss, pd, wd, adj, thr, gammas = _network(w, params, edge_index)
    S = adj + jnp.transpose(adj, (0, 2, 1))
    scols, svals, _ = _extract_rows(S, SW)
    nbc, _, nbcnt = _extract_rows(jnp.where(adj == 1.0, 1.0, 0.0), NBW)
    pad = jnp.zeros((B, NPAD - NPG), jnp.float32)
    pd0 = jnp.concatenate([pd, pad], axis=1)
    wd0 = jnp.concatenate([wd, pad], axis=1)
    nbcnt = jnp.concatenate([nbcnt, jnp.zeros((B, NPAD - NPG), jnp.int32)], axis=1)
    thrg = jnp.concatenate(
        [thr[:, None], gammas[:, None], jnp.zeros((B, 14), jnp.float32),
         jnp.zeros((B, 16), jnp.float32), jnp.ones((B, 16), jnp.float32),
         jnp.zeros((B, 16), jnp.float32)], axis=1)
    mis = _decode_sc(scols, svals, nbc, nbcnt, pd0, wd0, thrg)[:, :NPG]
    return (loss, mis)

# --- scband reference (transcript-rebuilt; emitter-appended) ---
"""Pipeline reference for scband-missolver-8942121910956 (READ-ONLY COPY).

The authoritative reference and input builder live on the scoring server;
editing this copy changes nothing except your own understanding.
"""

import jax, jax.numpy as jnp
import numpy as np

N = 10000
B = 20
NPG = 500
EPG = 8000
E = B * EPG
H = 64


def _lin(key, fi, fo):
    k1, k2 = jax.random.split(key)
    s = 1.0 / np.sqrt(fi)
    W = jax.random.uniform(k1, (fi, fo), minval=-s, maxval=s, dtype=jnp.float32)
    b = jax.random.uniform(k2, (fo,), minval=-s, maxval=s, dtype=jnp.float32)
    return (W, b)


def _mlp_params(key, sizes):
    ps = []
    for i in range(len(sizes) - 1):
        key, k = jax.random.split(key)
        ps.append(_lin(k, sizes[i], sizes[i + 1]))
    return ps


def setup_inputs(seed: int = 0):
    key = jax.random.key(seed)
    rng = np.random.RandomState(0)
    g = np.repeat(np.arange(B), EPG)
    src = (g * NPG + rng.randint(0, NPG, size=E)).astype(np.int32)
    dst = (g * NPG + rng.randint(0, NPG, size=E)).astype(np.int32)
    edge_index = jnp.asarray(np.stack([src, dst]))
    batch = jnp.asarray(np.repeat(np.arange(B), NPG).astype(np.int32))
    kw, kp = jax.random.split(key)
    w = jax.random.uniform(kw, (N,), dtype=jnp.float32)
    keys = jax.random.split(kp, 5)
    sizes = [[1, H, H, H], [H, H, H, H], [H, H, H, H], [H, H, H, H], [H, H, H, 1]]
    names = ['conv1', 'conv2', 'conv3', 'conv5', 'conv6']
    params = {}
    for nm, k, sz in zip(names, keys, sizes):
        params[nm] = {'eps': jnp.zeros((), dtype=jnp.float32), 'mlp': _mlp_params(k, sz)}
    for nm in ['bn1', 'bn2', 'bn3', 'bn5']:
        params[nm] = {'gamma': jnp.ones((H,), dtype=jnp.float32), 'beta': jnp.zeros((H,), dtype=jnp.float32)}
    return {'w': w, 'params': params, 'edge_index': edge_index, 'batch': batch}


def _mlp_apply(ps, x):
    n = len(ps)
    for i, (W, b) in enumerate(ps):
        x = x @ W + b
        if i < n - 1:
            x = jax.nn.relu(x)
    return x


def _gin(p, x, ei):
    agg = jax.ops.segment_sum(x[ei[0]], ei[1], num_segments=N)
    return _mlp_apply(p['mlp'], (1.0 + p['eps']) * x + agg)


def _bn(p, x):
    m = x.mean(0)
    v = x.var(0)
    return (x - m) / jnp.sqrt(v + 1e-5) * p['gamma'] + p['beta']


def _loss_core(w, params, edge_index):
    x = w[:, None]
    x = jax.nn.relu(_bn(params['bn1'], _gin(params['conv1'], x, edge_index)))
    x = jax.nn.relu(_bn(params['bn2'], _gin(params['conv2'], x, edge_index)))
    x = jax.nn.relu(_bn(params['bn3'], _gin(params['conv3'], x, edge_index)))
    x = jax.nn.relu(_bn(params['bn5'], _gin(params['conv5'], x, edge_index)))
    prob = jax.nn.sigmoid(_gin(params['conv6'], x, edge_index))[:, 0]
    pd = prob.reshape(B, NPG)
    wd = w.reshape(B, NPG)
    gammas = wd.sum(1)
    src = edge_index[0]
    dst = edge_index[1]
    gb = src // NPG
    adj = jnp.zeros((B, NPG, NPG), dtype=jnp.float32).at[gb, src % NPG, dst % NPG].add(1.0)
    term1 = -(wd * pd).sum(1)
    term2 = jnp.einsum('bi,bij,bj->b', pd, adj, pd)
    thr = gammas + term1 + term2
    loss = thr.sum() / B
    return loss, (pd, wd, adj, thr, gammas)


def _mis_solve(pd_b, wd_b, adj_b, thr_b, g_b):
    order = jnp.argsort(-pd_b)
    idx = jnp.arange(NPG)
    hp = jax.lax.Precision.HIGHEST

    def body(i, st):
        selmask, rejmask, pc = st
        node = order[i]
        nbmask = adj_b[node] == 1.0
        has_nb = nbmask.any()
        onehot = idx == node
        tmp = jnp.where(nbmask, 0.0, jnp.where(onehot, 1.0, pc))
        l = g_b - jnp.dot(wd_b, tmp, precision=hp) + jnp.dot(jnp.dot(tmp, adj_b, precision=hp), tmp, precision=hp)
        update = has_nb & (~rejmask[node]) & (l <= thr_b)
        selmask = selmask | (((~has_nb) | update) & onehot)
        rejmask = jnp.where(update, rejmask | nbmask, rejmask)
        pc = jnp.where(update, tmp, pc)
        return (selmask, rejmask, pc)

    init = (jnp.zeros((NPG,), dtype=bool), jnp.zeros((NPG,), dtype=bool), pd_b)
    selmask, _, _ = jax.lax.fori_loop(0, NPG, body, init)
    vals = jnp.sort(jnp.where(selmask, idx, NPG))
    return jnp.where(vals < NPG, vals, -1).astype(jnp.int32)


def reference(w, params, edge_index, batch):
    loss, (pd, wd, adj, thr, gammas) = _loss_core(w, params, edge_index)
    mis = jax.vmap(_mis_solve)(pd, wd, adj, thr, gammas)
    return (loss, mis)

if __name__ == "__main__":
    import jax
    _d = setup_inputs()
    print(jax.jit(kernel)(*tuple(_d.values())))

</pallas_src>

<mosaic_0001>
#map = affine_map<(d0, d1) -> (0, 0)>
module attributes {stable_mosaic.version = 14 : i64} {
  func.func @_decode_body(%arg0: i32, %arg1: i32, %arg2: memref<20x40000xi32, #tpu.memory_space<hbm>>, %arg3: memref<20x40000xf32, #tpu.memory_space<hbm>>, %arg4: memref<20x24000xi32, #tpu.memory_space<hbm>>, %arg5: memref<20x512xi32, #tpu.memory_space<hbm>>, %arg6: memref<20x512xf32, #tpu.memory_space<hbm>>, %arg7: memref<20x512xf32, #tpu.memory_space<hbm>>, %arg8: memref<20x64xf32, #tpu.memory_space<hbm>>, %arg9: memref<20x512xi32, #tpu.memory_space<hbm>>, %arg10: memref<40016xi32, #tpu.memory_space<vmem>>, %arg11: memref<40016xf32, #tpu.memory_space<vmem>>, %arg12: memref<24016xi32, #tpu.memory_space<vmem>>, %arg13: memref<528xi32, #tpu.memory_space<vmem>>, %arg14: memref<528xf32, #tpu.memory_space<vmem>>, %arg15: memref<528xf32, #tpu.memory_space<vmem>>, %arg16: memref<64xf32, #tpu.memory_space<vmem>>, %arg17: memref<512xf32, #tpu.memory_space<vmem>>, %arg18: memref<528xf32, #tpu.memory_space<vmem>>, %arg19: memref<528xf32, #tpu.memory_space<vmem>>, %arg20: memref<512xi32, #tpu.memory_space<vmem>>, %arg21: memref<512xi32, #tpu.memory_space<vmem>>, %arg22: memref<528xi32, #tpu.memory_space<vmem>>, %arg23: memref<528xi32, #tpu.memory_space<vmem>>) attributes {dimension_semantics = [#tpu.dimension_semantics<core_parallel>, #tpu.dimension_semantics<subcore_parallel>], iteration_bounds = array<i64: 2, 16>, scalar_prefetch = 0 : i64, scratch_operands = 14 : i64, tpu.core_type = #tpu.core_type<sc_vector_subcore>, window_params = [{transform_indices = #map}, {transform_indices = #map}, {transform_indices = #map}, {transform_indices = #map}, {transform_indices = #map}, {transform_indices = #map}, {transform_indices = #map}, {transform_indices = #map}]} {
    %mul3A = arith.constant 2 : i32
    %mul3A_0 = arith.muli %arg1, %mul3A : i32
    %add3A = arith.addi %mul3A_0, %arg0 : i32
    %lt3A = arith.constant 20 : i32
    %lt3A_1 = arith.cmpi slt, %add3A, %lt3A : i32
    %convert_element_type3A = arith.extui %lt3A_1 : i1 to i32
    %cond3A = arith.constant 0 : i32
    %cond3A_2 = arith.cmpi ne, %convert_element_type3A, %cond3A : i32
    scf.if %cond3A_2 {
      "tpu.region"() ({
        %run_scoped3A = tpu.sem_alloc : memref<!tpu.dma_semaphore, #tpu.memory_space<semaphore_mem>>
        %dma_start3A = arith.constant 0 : i32
        %dma_start3A_76 = tpu.memref_slice %arg10[%dma_start3A] : memref<40016xi32, #tpu.memory_space<vmem>> -> memref<40000xi32, #tpu.memory_space<vmem>>
        %dma_start3A_77 = arith.constant 0 : i32
        %dma_start3A_78 = tpu.memref_slice %arg2[%add3A, %dma_start3A_77] : memref<20x40000xi32, #tpu.memory_space<hbm>> -> memref<1x40000xi32, #tpu.memory_space<hbm>>
        %dma_start3A_79 = tpu.memref_squeeze %dma_start3A_78 : memref<1x40000xi32, #tpu.memory_space<hbm>> -> memref<40000xi32, #tpu.memory_space<hbm>>
        %dma_start3A_80 = arith.constant 0 : i32
        %dma_start3A_81 = tpu.memref_slice %arg10[%dma_start3A_80] : memref<40016xi32, #tpu.memory_space<vmem>> -> memref<40000xi32, #tpu.memory_space<vmem>>
        %dma_start3A_82 = arith.constant 0 : i32
        %dma_start3A_83 = tpu.memref_slice %arg2[%add3A, %dma_start3A_82] : memref<20x40000xi32, #tpu.memory_space<hbm>> -> memref<1x40000xi32, #tpu.memory_space<hbm>>
        %dma_start3A_84 = tpu.memref_squeeze %dma_start3A_83 : memref<1x40000xi32, #tpu.memory_space<hbm>> -> memref<40000xi32, #tpu.memory_space<hbm>>
        tpu.enqueue_dma source(%dma_start3A_84 : memref<40000xi32, #tpu.memory_space<hbm>>) target(%dma_start3A_81 : memref<40000xi32, #tpu.memory_space<vmem>>) target_semaphore(%run_scoped3A : memref<!tpu.dma_semaphore, #tpu.memory_space<semaphore_mem>>)
        %dma_wait3A = arith.constant 0 : i32
        %dma_wait3A_85 = tpu.memref_slice %arg10[%dma_wait3A] : memref<40016xi32, #tpu.memory_space<vmem>> -> memref<40000xi32, #tpu.memory_space<vmem>>
        %dma_wait3A_86 = arith.constant 0 : i32
        %dma_wait3A_87 = tpu.memref_slice %arg2[%add3A, %dma_wait3A_86] : memref<20x40000xi32, #tpu.memory_space<hbm>> -> memref<1x40000xi32, #tpu.memory_space<hbm>>
        %dma_wait3A_88 = tpu.memref_squeeze %dma_wait3A_87 : memref<1x40000xi32, #tpu.memory_space<hbm>> -> memref<40000xi32, #tpu.memory_space<hbm>>
        %dma_wait3A_89 = arith.constant 0 : i32
        %dma_wait3A_90 = tpu.memref_slice %arg10[%dma_wait3A_89] : memref<40016xi32, #tpu.memory_space<vmem>> -> memref<40000xi32, #tpu.memory_space<vmem>>
        %dma_wait3A_91 = arith.constant 0 : i32
        %dma_wait3A_92 = tpu.memref_slice %arg2[%add3A, %dma_wait3A_91] : memref<20x40000xi32, #tpu.memory_space<hbm>> -> memref<1x40000xi32, #tpu.memory_space<hbm>>
        %dma_wait3A_93 = tpu.memref_squeeze %dma_wait3A_92 : memref<1x40000xi32, #tpu.memory_space<hbm>> -> memref<40000xi32, #tpu.memory_space<hbm>>
        tpu.wait_dma2 semaphore(%run_scoped3A : memref<!tpu.dma_semaphore, #tpu.memory_space<semaphore_mem>>) src(%dma_wait3A_93 : memref<40000xi32, #tpu.memory_space<hbm>>) dst(%dma_wait3A_90 : memref<40000xi32, #tpu.memory_space<vmem>>)
        tpu.yield
      }) : () -> ()
      "tpu.region"() ({
        %run_scoped3A = tpu.sem_alloc : memref<!tpu.dma_semaphore, #tpu.memory_space<semaphore_mem>>
        %dma_start3A = arith.constant 0 : i32
        %dma_start3A_76 = tpu.memref_slice %arg11[%dma_start3A] : memref<40016xf32, #tpu.memory_space<vmem>> -> memref<40000xf32, #tpu.memory_space<vmem>>
        %dma_start3A_77 = arith.constant 0 : i32
        %dma_start3A_78 = tpu.memref_slice %arg3[%add3A, %dma_start3A_77] : memref<20x40000xf32, #tpu.memory_space<hbm>> -> memref<1x40000xf32, #tpu.memory_space<hbm>>
        %dma_start3A_79 = tpu.memref_squeeze %dma_start3A_78 : memref<1x40000xf32, #tpu.memory_space<hbm>> -> memref<40000xf32, #tpu.memory_space<hbm>>
        %dma_start3A_80 = arith.constant 0 : i32
        %dma_start3A_81 = tpu.memref_slice %arg11[%dma_start3A_80] : memref<40016xf32, #tpu.memory_space<vmem>> -> memref<40000xf32, #tpu.memory_space<vmem>>
        %dma_start3A_82 = arith.constant 0 : i32
        %dma_start3A_83 = tpu.memref_slice %arg3[%add3A, %dma_start3A_82] : memref<20x40000xf32, #tpu.memory_space<hbm>> -> memref<1x40000xf32, #tpu.memory_space<hbm>>
        %dma_start3A_84 = tpu.memref_squeeze %dma_start3A_83 : memref<1x40000xf32, #tpu.memory_space<hbm>> -> memref<40000xf32, #tpu.memory_space<hbm>>
        tpu.enqueue_dma source(%dma_start3A_84 : memref<40000xf32, #tpu.memory_space<hbm>>) target(%dma_start3A_81 : memref<40000xf32, #tpu.memory_space<vmem>>) target_semaphore(%run_scoped3A : memref<!tpu.dma_semaphore, #tpu.memory_space<semaphore_mem>>)
        %dma_wait3A = arith.constant 0 : i32
        %dma_wait3A_85 = tpu.memref_slice %arg11[%dma_wait3A] : memref<40016xf32, #tpu.memory_space<vmem>> -> memref<40000xf32, #tpu.memory_space<vmem>>
        %dma_wait3A_86 = arith.constant 0 : i32
        %dma_wait3A_87 = tpu.memref_slice %arg3[%add3A, %dma_wait3A_86] : memref<20x40000xf32, #tpu.memory_space<hbm>> -> memref<1x40000xf32, #tpu.memory_space<hbm>>
        %dma_wait3A_88 = tpu.memref_squeeze %dma_wait3A_87 : memref<1x40000xf32, #tpu.memory_space<hbm>> -> memref<40000xf32, #tpu.memory_space<hbm>>
        %dma_wait3A_89 = arith.constant 0 : i32
        %dma_wait3A_90 = tpu.memref_slice %arg11[%dma_wait3A_89] : memref<40016xf32, #tpu.memory_space<vmem>> -> memref<40000xf32, #tpu.memory_space<vmem>>
        %dma_wait3A_91 = arith.constant 0 : i32
        %dma_wait3A_92 = tpu.memref_slice %arg3[%add3A, %dma_wait3A_91] : memref<20x40000xf32, #tpu.memory_space<hbm>> -> memref<1x40000xf32, #tpu.memory_space<hbm>>
        %dma_wait3A_93 = tpu.memref_squeeze %dma_wait3A_92 : memref<1x40000xf32, #tpu.memory_space<hbm>> -> memref<40000xf32, #tpu.memory_space<hbm>>
        tpu.wait_dma2 semaphore(%run_scoped3A : memref<!tpu.dma_semaphore, #tpu.memory_space<semaphore_mem>>) src(%dma_wait3A_93 : memref<40000xf32, #tpu.memory_space<hbm>>) dst(%dma_wait3A_90 : memref<40000xf32, #tpu.memory_space<vmem>>)
        tpu.yield
      }) : () -> ()
      "tpu.region"() ({
        %run_scoped3A = tpu.sem_alloc : memref<!tpu.dma_semaphore, #tpu.memory_space<semaphore_mem>>
        %dma_start3A = arith.constant 0 : i32
        %dma_start3A_76 = tpu.memref_slice %arg12[%dma_start3A] : memref<24016xi32, #tpu.memory_space<vmem>> -> memref<24000xi32, #tpu.memory_space<vmem>>
        %dma_start3A_77 = arith.constant 0 : i32
        %dma_start3A_78 = tpu.memref_slice %arg4[%add3A, %dma_start3A_77] : memref<20x24000xi32, #tpu.memory_space<hbm>> -> memref<1x24000xi32, #tpu.memory_space<hbm>>
        %dma_start3A_79 = tpu.memref_squeeze %dma_start3A_78 : memref<1x24000xi32, #tpu.memory_space<hbm>> -> memref<24000xi32, #tpu.memory_space<hbm>>
        %dma_start3A_80 = arith.constant 0 : i32
        %dma_start3A_81 = tpu.memref_slice %arg12[%dma_start3A_80] : memref<24016xi32, #tpu.memory_space<vmem>> -> memref<24000xi32, #tpu.memory_space<vmem>>
        %dma_start3A_82 = arith.constant 0 : i32
        %dma_start3A_83 = tpu.memref_slice %arg4[%add3A, %dma_start3A_82] : memref<20x24000xi32, #tpu.memory_space<hbm>> -> memref<1x24000xi32, #tpu.memory_space<hbm>>
        %dma_start3A_84 = tpu.memref_squeeze %dma_start3A_83 : memref<1x24000xi32, #tpu.memory_space<hbm>> -> memref<24000xi32, #tpu.memory_space<hbm>>
        tpu.enqueue_dma source(%dma_start3A_84 : memref<24000xi32, #tpu.memory_space<hbm>>) target(%dma_start3A_81 : memref<24000xi32, #tpu.memory_space<vmem>>) target_semaphore(%run_scoped3A : memref<!tpu.dma_semaphore, #tpu.memory_space<semaphore_mem>>)
        %dma_wait3A = arith.constant 0 : i32
        %dma_wait3A_85 = tpu.memref_slice %arg12[%dma_wait3A] : memref<24016xi32, #tpu.memory_space<vmem>> -> memref<24000xi32, #tpu.memory_space<vmem>>
        %dma_wait3A_86 = arith.constant 0 : i32
        %dma_wait3A_87 = tpu.memref_slice %arg4[%add3A, %dma_wait3A_86] : memref<20x24000xi32, #tpu.memory_space<hbm>> -> memref<1x24000xi32, #tpu.memory_space<hbm>>
        %dma_wait3A_88 = tpu.memref_squeeze %dma_wait3A_87 : memref<1x24000xi32, #tpu.memory_space<hbm>> -> memref<24000xi32, #tpu.memory_space<hbm>>
        %dma_wait3A_89 = arith.constant 0 : i32
        %dma_wait3A_90 = tpu.memref_slice %arg12[%dma_wait3A_89] : memref<24016xi32, #tpu.memory_space<vmem>> -> memref<24000xi32, #tpu.memory_space<vmem>>
        %dma_wait3A_91 = arith.constant 0 : i32
        %dma_wait3A_92 = tpu.memref_slice %arg4[%add3A, %dma_wait3A_91] : memref<20x24000xi32, #tpu.memory_space<hbm>> -> memref<1x24000xi32, #tpu.memory_space<hbm>>
        %dma_wait3A_93 = tpu.memref_squeeze %dma_wait3A_92 : memref<1x24000xi32, #tpu.memory_space<hbm>> -> memref<24000xi32, #tpu.memory_space<hbm>>
        tpu.wait_dma2 semaphore(%run_scoped3A : memref<!tpu.dma_semaphore, #tpu.memory_space<semaphore_mem>>) src(%dma_wait3A_93 : memref<24000xi32, #tpu.memory_space<hbm>>) dst(%dma_wait3A_90 : memref<24000xi32, #tpu.memory_space<vmem>>)
        tpu.yield
      }) : () -> ()
      "tpu.region"() ({
        %run_scoped3A = tpu.sem_alloc : memref<!tpu.dma_semaphore, #tpu.memory_space<semaphore_mem>>
        %dma_start3A = arith.constant 0 : i32
        %dma_start3A_76 = tpu.memref_slice %arg13[%dma_start3A] : memref<528xi32, #tpu.memory_space<vmem>> -> memref<512xi32, #tpu.memory_space<vmem>>
        %dma_start3A_77 = arith.constant 0 : i32
        %dma_start3A_78 = tpu.memref_slice %arg5[%add3A, %dma_start3A_77] : memref<20x512xi32, #tpu.memory_space<hbm>> -> memref<1x512xi32, #tpu.memory_space<hbm>>
        %dma_start3A_79 = tpu.memref_squeeze %dma_start3A_78 : memref<1x512xi32, #tpu.memory_space<hbm>> -> memref<512xi32, #tpu.memory_space<hbm>>
        %dma_start3A_80 = arith.constant 0 : i32
        %dma_start3A_81 = tpu.memref_slice %arg13[%dma_start3A_80] : memref<528xi32, #tpu.memory_space<vmem>> -> memref<512xi32, #tpu.memory_space<vmem>>
        %dma_start3A_82 = arith.constant 0 : i32
        %dma_start3A_83 = tpu.memref_slice %arg5[%add3A, %dma_start3A_82] : memref<20x512xi32, #tpu.memory_space<hbm>> -> memref<1x512xi32, #tpu.memory_space<hbm>>
        %dma_start3A_84 = tpu.memref_squeeze %dma_start3A_83 : memref<1x512xi32, #tpu.memory_space<hbm>> -> memref<512xi32, #tpu.memory_space<hbm>>
        tpu.enqueue_dma source(%dma_start3A_84 : memref<512xi32, #tpu.memory_space<hbm>>) target(%dma_start3A_81 : memref<512xi32, #tpu.memory_space<vmem>>) target_semaphore(%run_scoped3A : memref<!tpu.dma_semaphore, #tpu.memory_space<semaphore_mem>>)
        %dma_wait3A = arith.constant 0 : i32
        %dma_wait3A_85 = tpu.memref_slice %arg13[%dma_wait3A] : memref<528xi32, #tpu.memory_space<vmem>> -> memref<512xi32, #tpu.memory_space<vmem>>
        %dma_wait3A_86 = arith.constant 0 : i32
        %dma_wait3A_87 = tpu.memref_slice %arg5[%add3A, %dma_wait3A_86] : memref<20x512xi32, #tpu.memory_space<hbm>> -> memref<1x512xi32, #tpu.memory_space<hbm>>
        %dma_wait3A_88 = tpu.memref_squeeze %dma_wait3A_87 : memref<1x512xi32, #tpu.memory_space<hbm>> -> memref<512xi32, #tpu.memory_space<hbm>>
        %dma_wait3A_89 = arith.constant 0 : i32
        %dma_wait3A_90 = tpu.memref_slice %arg13[%dma_wait3A_89] : memref<528xi32, #tpu.memory_space<vmem>> -> memref<512xi32, #tpu.memory_space<vmem>>
        %dma_wait3A_91 = arith.constant 0 : i32
        %dma_wait3A_92 = tpu.memref_slice %arg5[%add3A, %dma_wait3A_91] : memref<20x512xi32, #tpu.memory_space<hbm>> -> memref<1x512xi32, #tpu.memory_space<hbm>>
        %dma_wait3A_93 = tpu.memref_squeeze %dma_wait3A_92 : memref<1x512xi32, #tpu.memory_space<hbm>> -> memref<512xi32, #tpu.memory_space<hbm>>
        tpu.wait_dma2 semaphore(%run_scoped3A : memref<!tpu.dma_semaphore, #tpu.memory_space<semaphore_mem>>) src(%dma_wait3A_93 : memref<512xi32, #tpu.memory_space<hbm>>) dst(%dma_wait3A_90 : memref<512xi32, #tpu.memory_space<vmem>>)
        tpu.yield
      }) : () -> ()
      "tpu.region"() ({
        %run_scoped3A = tpu.sem_alloc : memref<!tpu.dma_semaphore, #tpu.memory_space<semaphore_mem>>
        %dma_start3A = arith.constant 0 : i32
        %dma_start3A_76 = tpu.memref_slice %arg14[%dma_start3A] : memref<528xf32, #tpu.memory_space<vmem>> -> memref<512xf32, #tpu.memory_space<vmem>>
        %dma_start3A_77 = arith.constant 0 : i32
        %dma_start3A_78 = tpu.memref_slice %arg6[%add3A, %dma_start3A_77] : memref<20x512xf32, #tpu.memory_space<hbm>> -> memref<1x512xf32, #tpu.memory_space<hbm>>
        %dma_start3A_79 = tpu.memref_squeeze %dma_start3A_78 : memref<1x512xf32, #tpu.memory_space<hbm>> -> memref<512xf32, #tpu.memory_space<hbm>>
        %dma_start3A_80 = arith.constant 0 : i32
        %dma_start3A_81 = tpu.memref_slice %arg14[%dma_start3A_80] : memref<528xf32, #tpu.memory_space<vmem>> -> memref<512xf32, #tpu.memory_space<vmem>>
        %dma_start3A_82 = arith.constant 0 : i32
        %dma_start3A_83 = tpu.memref_slice %arg6[%add3A, %dma_start3A_82] : memref<20x512xf32, #tpu.memory_space<hbm>> -> memref<1x512xf32, #tpu.memory_space<hbm>>
        %dma_start3A_84 = tpu.memref_squeeze %dma_start3A_83 : memref<1x512xf32, #tpu.memory_space<hbm>> -> memref<512xf32, #tpu.memory_space<hbm>>
        tpu.enqueue_dma source(%dma_start3A_84 : memref<512xf32, #tpu.memory_space<hbm>>) target(%dma_start3A_81 : memref<512xf32, #tpu.memory_space<vmem>>) target_semaphore(%run_scoped3A : memref<!tpu.dma_semaphore, #tpu.memory_space<semaphore_mem>>)
        %dma_wait3A = arith.constant 0 : i32
        %dma_wait3A_85 = tpu.memref_slice %arg14[%dma_wait3A] : memref<528xf32, #tpu.memory_space<vmem>> -> memref<512xf32, #tpu.memory_space<vmem>>
        %dma_wait3A_86 = arith.constant 0 : i32
        %dma_wait3A_87 = tpu.memref_slice %arg6[%add3A, %dma_wait3A_86] : memref<20x512xf32, #tpu.memory_space<hbm>> -> memref<1x512xf32, #tpu.memory_space<hbm>>
        %dma_wait3A_88 = tpu.memref_squeeze %dma_wait3A_87 : memref<1x512xf32, #tpu.memory_space<hbm>> -> memref<512xf32, #tpu.memory_space<hbm>>
        %dma_wait3A_89 = arith.constant 0 : i32
        %dma_wait3A_90 = tpu.memref_slice %arg14[%dma_wait3A_89] : memref<528xf32, #tpu.memory_space<vmem>> -> memref<512xf32, #tpu.memory_space<vmem>>
        %dma_wait3A_91 = arith.constant 0 : i32
        %dma_wait3A_92 = tpu.memref_slice %arg6[%add3A, %dma_wait3A_91] : memref<20x512xf32, #tpu.memory_space<hbm>> -> memref<1x512xf32, #tpu.memory_space<hbm>>
        %dma_wait3A_93 = tpu.memref_squeeze %dma_wait3A_92 : memref<1x512xf32, #tpu.memory_space<hbm>> -> memref<512xf32, #tpu.memory_space<hbm>>
        tpu.wait_dma2 semaphore(%run_scoped3A : memref<!tpu.dma_semaphore, #tpu.memory_space<semaphore_mem>>) src(%dma_wait3A_93 : memref<512xf32, #tpu.memory_space<hbm>>) dst(%dma_wait3A_90 : memref<512xf32, #tpu.memory_space<vmem>>)
        tpu.yield
      }) : () -> ()
      "tpu.region"() ({
        %run_scoped3A = tpu.sem_alloc : memref<!tpu.dma_semaphore, #tpu.memory_space<semaphore_mem>>
        %dma_start3A = arith.constant 0 : i32
        %dma_start3A_76 = tpu.memref_slice %arg15[%dma_start3A] : memref<528xf32, #tpu.memory_space<vmem>> -> memref<512xf32, #tpu.memory_space<vmem>>
        %dma_start3A_77 = arith.constant 0 : i32
        %dma_start3A_78 = tpu.memref_slice %arg7[%add3A, %dma_start3A_77] : memref<20x512xf32, #tpu.memory_space<hbm>> -> memref<1x512xf32, #tpu.memory_space<hbm>>
        %dma_start3A_79 = tpu.memref_squeeze %dma_start3A_78 : memref<1x512xf32, #tpu.memory_space<hbm>> -> memref<512xf32, #tpu.memory_space<hbm>>
        %dma_start3A_80 = arith.constant 0 : i32
        %dma_start3A_81 = tpu.memref_slice %arg15[%dma_start3A_80] : memref<528xf32, #tpu.memory_space<vmem>> -> memref<512xf32, #tpu.memory_space<vmem>>
        %dma_start3A_82 = arith.constant 0 : i32
        %dma_start3A_83 = tpu.memref_slice %arg7[%add3A, %dma_start3A_82] : memref<20x512xf32, #tpu.memory_space<hbm>> -> memref<1x512xf32, #tpu.memory_space<hbm>>
        %dma_start3A_84 = tpu.memref_squeeze %dma_start3A_83 : memref<1x512xf32, #tpu.memory_space<hbm>> -> memref<512xf32, #tpu.memory_space<hbm>>
        tpu.enqueue_dma source(%dma_start3A_84 : memref<512xf32, #tpu.memory_space<hbm>>) target(%dma_start3A_81 : memref<512xf32, #tpu.memory_space<vmem>>) target_semaphore(%run_scoped3A : memref<!tpu.dma_semaphore, #tpu.memory_space<semaphore_mem>>)
        %dma_wait3A = arith.constant 0 : i32
        %dma_wait3A_85 = tpu.memref_slice %arg15[%dma_wait3A] : memref<528xf32, #tpu.memory_space<vmem>> -> memref<512xf32, #tpu.memory_space<vmem>>
        %dma_wait3A_86 = arith.constant 0 : i32
        %dma_wait3A_87 = tpu.memref_slice %arg7[%add3A, %dma_wait3A_86] : memref<20x512xf32, #tpu.memory_space<hbm>> -> memref<1x512xf32, #tpu.memory_space<hbm>>
        %dma_wait3A_88 = tpu.memref_squeeze %dma_wait3A_87 : memref<1x512xf32, #tpu.memory_space<hbm>> -> memref<512xf32, #tpu.memory_space<hbm>>
        %dma_wait3A_89 = arith.constant 0 : i32
        %dma_wait3A_90 = tpu.memref_slice %arg15[%dma_wait3A_89] : memref<528xf32, #tpu.memory_space<vmem>> -> memref<512xf32, #tpu.memory_space<vmem>>
        %dma_wait3A_91 = arith.constant 0 : i32
        %dma_wait3A_92 = tpu.memref_slice %arg7[%add3A, %dma_wait3A_91] : memref<20x512xf32, #tpu.memory_space<hbm>> -> memref<1x512xf32, #tpu.memory_space<hbm>>
        %dma_wait3A_93 = tpu.memref_squeeze %dma_wait3A_92 : memref<1x512xf32, #tpu.memory_space<hbm>> -> memref<512xf32, #tpu.memory_space<hbm>>
        tpu.wait_dma2 semaphore(%run_scoped3A : memref<!tpu.dma_semaphore, #tpu.memory_space<semaphore_mem>>) src(%dma_wait3A_93 : memref<512xf32, #tpu.memory_space<hbm>>) dst(%dma_wait3A_90 : memref<512xf32, #tpu.memory_space<vmem>>)
        tpu.yield
      }) : () -> ()
      "tpu.region"() ({
        %run_scoped3A = tpu.sem_alloc : memref<!tpu.dma_semaphore, #tpu.memory_space<semaphore_mem>>
        %dma_start3A = arith.constant 0 : i32
        %dma_start3A_76 = tpu.memref_slice %arg8[%add3A, %dma_start3A] : memref<20x64xf32, #tpu.memory_space<hbm>> -> memref<1x64xf32, #tpu.memory_space<hbm>>
        %dma_start3A_77 = tpu.memref_squeeze %dma_start3A_76 : memref<1x64xf32, #tpu.memory_space<hbm>> -> memref<64xf32, #tpu.memory_space<hbm>>
        %dma_start3A_78 = arith.constant 0 : i32
        %dma_start3A_79 = tpu.memref_slice %arg8[%add3A, %dma_start3A_78] : memref<20x64xf32, #tpu.memory_space<hbm>> -> memref<1x64xf32, #tpu.memory_space<hbm>>
        %dma_start3A_80 = tpu.memref_squeeze %dma_start3A_79 : memref<1x64xf32, #tpu.memory_space<hbm>> -> memref<64xf32, #tpu.memory_space<hbm>>
        tpu.enqueue_dma source(%dma_start3A_80 : memref<64xf32, #tpu.memory_space<hbm>>) target(%arg16 : memref<64xf32, #tpu.memory_space<vmem>>) target_semaphore(%run_scoped3A : memref<!tpu.dma_semaphore, #tpu.memory_space<semaphore_mem>>)
        %dma_wait3A = arith.constant 0 : i32
        %dma_wait3A_81 = tpu.memref_slice %arg8[%add3A, %dma_wait3A] : memref<20x64xf32, #tpu.memory_space<hbm>> -> memref<1x64xf32, #tpu.memory_space<hbm>>
        %dma_wait3A_82 = tpu.memref_squeeze %dma_wait3A_81 : memref<1x64xf32, #tpu.memory_space<hbm>> -> memref<64xf32, #tpu.memory_space<hbm>>
        %dma_wait3A_83 = arith.constant 0 : i32
        %dma_wait3A_84 = tpu.memref_slice %arg8[%add3A, %dma_wait3A_83] : memref<20x64xf32, #tpu.memory_space<hbm>> -> memref<1x64xf32, #tpu.memory_space<hbm>>
        %dma_wait3A_85 = tpu.memref_squeeze %dma_wait3A_84 : memref<1x64xf32, #tpu.memory_space<hbm>> -> memref<64xf32, #tpu.memory_space<hbm>>
        tpu.wait_dma2 semaphore(%run_scoped3A : memref<!tpu.dma_semaphore, #tpu.memory_space<semaphore_mem>>) src(%dma_wait3A_85 : memref<64xf32, #tpu.memory_space<hbm>>) dst(%arg16 : memref<64xf32, #tpu.memory_space<vmem>>)
        tpu.yield
      }) : () -> ()
      %iota3A = tpu.iota {dimensions = array<i32: 0>} : vector<16xi32>
      %broadcast_in_dim3A = arith.constant 0.000000e+00 : f32
      %broadcast_in_dim3A_3 = vector.broadcast %broadcast_in_dim3A : f32 to vector<16xf32>
      %get3A = arith.constant 0 : index
      %get3A_4 = tpu.vector_load %arg16[%get3A] {strides = array<i32>} : memref<64xf32, #tpu.memory_space<vmem>>, vector<16xf32>,
      %eq3A = arith.constant 0 : i32
      %eq3A_5 = vector.broadcast %eq3A : i32 to vector<16xi32>
      %eq3A_6 = arith.cmpi eq, %iota3A, %eq3A_5 : vector<16xi32>
      %jit3A = arith.constant 0.000000e+00 : f32
      %broadcast_in_dim3A_7 = vector.broadcast %jit3A : f32 to vector<16xf32>
      %select_n3A = arith.select %eq3A_6, %get3A_4, %broadcast_in_dim3A_7 : vector<16xi1>, vector<16xf32>
      %reduce_sum3A = arith.constant true
      %reduce_sum3A_8 = vector.broadcast %reduce_sum3A : i1 to vector<16xi1>
      %reduce_sum3A_9 = tpu.scan <sum>, %select_n3A masked %reduce_sum3A_8 : vector<16xf32>, vector<16xi1> -> vector<16xf32>
      %reduce_sum3A_10 = vector.extract %reduce_sum3A_9[15] : f32 from vector<16xf32>
      %get3A_11 = arith.constant 0 : index
      %get3A_12 = tpu.vector_load %arg16[%get3A_11] {strides = array<i32>} : memref<64xf32, #tpu.memory_space<vmem>>, vector<16xf32>,
      %eq3A_13 = arith.constant 1 : i32
      %eq3A_14 = vector.broadcast %eq3A_13 : i32 to vector<16xi32>
      %eq3A_15 = arith.cmpi eq, %iota3A, %eq3A_14 : vector<16xi32>
      %jit3A_16 = arith.constant 0.000000e+00 : f32
      %broadcast_in_dim3A_17 = vector.broadcast %jit3A_16 : f32 to vector<16xf32>
      %select_n3A_18 = arith.select %eq3A_15, %get3A_12, %broadcast_in_dim3A_17 : vector<16xi1>, vector<16xf32>
      %reduce_sum3A_19 = arith.constant true
      %reduce_sum3A_20 = vector.broadcast %reduce_sum3A_19 : i1 to vector<16xi1>
      %reduce_sum3A_21 = tpu.scan <sum>, %select_n3A_18 masked %reduce_sum3A_20 : vector<16xf32>, vector<16xi1> -> vector<16xf32>
      %reduce_sum3A_22 = vector.extract %reduce_sum3A_21[15] : f32 from vector<16xf32>
      %get3A_23 = arith.constant 16 : index
      %get3A_24 = tpu.vector_load %arg16[%get3A_23] {strides = array<i32>} : memref<64xf32, #tpu.memory_space<vmem>>, vector<16xf32>,
      %get3A_25 = arith.constant 32 : index
      %get3A_26 = tpu.vector_load %arg16[%get3A_25] {strides = array<i32>} : memref<64xf32, #tpu.memory_space<vmem>>, vector<16xf32>,
      %scan3A = arith.constant 0 : i32
      %scan3A_27 = arith.constant 0 : i32
      %scan3A_28 = arith.constant 32 : i32
      %scan3A_29 = arith.addi %scan3A_27, %scan3A_28 : i32
      %scan3A_30 = arith.constant 1 : i32
      %scan3A_31 = scf.for %scan3A_76 = %scan3A_27 to %scan3A_29 step %scan3A_30 iter_args(%scan3A_77 = %scan3A) -> (i32)  : i32 {
        %mul3A_78 = arith.constant 16 : i32
        %mul3A_79 = arith.muli %scan3A_76, %mul3A_78 : i32
        %get3A_80 = arith.index_cast %mul3A_79 : i32 to index
        %get3A_81 = tpu.vector_load %arg14[%get3A_80] {strides = array<i32>} : memref<528xf32, #tpu.memory_space<vmem>>, vector<16xf32>,
        %add3A_82 = vector.broadcast %mul3A_79 : i32 to vector<16xi32>
        %add3A_83 = arith.addi %add3A_82, %iota3A : vector<16xi32>
        %lt3A_84 = arith.constant 500 : i32
        %lt3A_85 = vector.broadcast %lt3A_84 : i32 to vector<16xi32>
        %lt3A_86 = arith.cmpi slt, %add3A_83, %lt3A_85 : vector<16xi32>
        %jit3A_87 = arith.constant -1.000000e+00 : f32
        %broadcast_in_dim3A_88 = vector.broadcast %jit3A_87 : f32 to vector<16xf32>
        %select_n3A_89 = arith.select %lt3A_86, %get3A_81, %broadcast_in_dim3A_88 : vector<16xi1>, vector<16xf32>
        %swap3A = arith.index_cast %mul3A_79 : i32 to index
        %swap3A_90 = tpu.vector_load %arg17[%swap3A] {strides = array<i32>} : memref<512xf32, #tpu.memory_space<vmem>>, vector<16xf32>,
        tpu.vector_store %arg17[%swap3A], %select_n3A_89 {strides = array<i32>} : memref<512xf32, #tpu.memory_space<vmem>>, vector<16xf32>,
        %swap3A_91 = arith.index_cast %mul3A_79 : i32 to index
        %swap3A_92 = tpu.vector_load %arg19[%swap3A_91] {strides = array<i32>} : memref<528xf32, #tpu.memory_space<vmem>>, vector<16xf32>,
        tpu.vector_store %arg19[%swap3A_91], %broadcast_in_dim3A_3 {strides = array<i32>} : memref<528xf32, #tpu.memory_space<vmem>>, vector<16xf32>,
        %broadcast_in_dim3A_93 = arith.constant 0 : i32
        %broadcast_in_dim3A_94 = vector.broadcast %broadcast_in_dim3A_93 : i32 to vector<16xi32>
        %swap3A_95 = arith.index_cast %mul3A_79 : i32 to index
        %swap3A_96 = tpu.vector_load %arg20[%swap3A_95] {strides = array<i32>} : memref<512xi32, #tpu.memory_space<vmem>>, vector<16xi32>,
        tpu.vector_store %arg20[%swap3A_95], %broadcast_in_dim3A_94 {strides = array<i32>} : memref<512xi32, #tpu.memory_space<vmem>>, vector<16xi32>,
        %broadcast_in_dim3A_97 = arith.constant 0 : i32
        %broadcast_in_dim3A_98 = vector.broadcast %broadcast_in_dim3A_97 : i32 to vector<16xi32>
        %swap3A_99 = arith.index_cast %mul3A_79 : i32 to index
        %swap3A_100 = tpu.vector_load %arg23[%swap3A_99] {strides = array<i32>} : memref<528xi32, #tpu.memory_space<vmem>>, vector<16xi32>,
        tpu.vector_store %arg23[%swap3A_99], %broadcast_in_dim3A_98 {strides = array<i32>} : memref<528xi32, #tpu.memory_space<vmem>>, vector<16xi32>,
        %broadcast_in_dim3A_101 = arith.constant -1 : i32
        %broadcast_in_dim3A_102 = vector.broadcast %broadcast_in_dim3A_101 : i32 to vector<16xi32>
        %swap3A_103 = arith.index_cast %mul3A_79 : i32 to index
        %swap3A_104 = tpu.vector_load %arg21[%swap3A_103] {strides = array<i32>} : memref<512xi32, #tpu.memory_space<vmem>>, vector<16xi32>,
        tpu.vector_store %arg21[%swap3A_103], %broadcast_in_dim3A_102 {strides = array<i32>} : memref<512xi32, #tpu.memory_space<vmem>>, vector<16xi32>,
        %swap3A_105 = arith.index_cast %mul3A_79 : i32 to index
        %swap3A_106 = tpu.vector_load %arg18[%swap3A_105] {strides = array<i32>} : memref<528xf32, #tpu.memory_space<vmem>>, vector<16xf32>,
        tpu.vector_store %arg18[%swap3A_105], %broadcast_in_dim3A_3 {strides = array<i32>} : memref<528xf32, #tpu.memory_space<vmem>>, vector<16xf32>,
        %scan3A_107 = arith.constant 0 : i32
        scf.yield %scan3A_107 : i32
      }
      %scan3A_32 = arith.constant 32 : i32
      %scan3A_33 = arith.constant 0 : i32
      %scan3A_34 = arith.constant 0 : i32
      %scan3A_35 = arith.constant 500 : i32
      %scan3A_36 = arith.addi %scan3A_34, %scan3A_35 : i32
      %scan3A_37 = arith.constant 1 : i32
      %scan3A_38 = scf.for %scan3A_76 = %scan3A_34 to %scan3A_36 step %scan3A_37 iter_args(%scan3A_77 = %scan3A_33) -> (i32)  : i32 {
        %get3A_78 = arith.index_cast %scan3A_76 : i32 to index
        %get3A_79 = tpu.vector_load %arg14[%get3A_78] {strides = array<i32>} : memref<528xf32, #tpu.memory_space<vmem>>, vector<16xf32>,
        %eq3A_80 = arith.constant 0 : i32
        %eq3A_81 = vector.broadcast %eq3A_80 : i32 to vector<16xi32>
        %eq3A_82 = arith.cmpi eq, %iota3A, %eq3A_81 : vector<16xi32>
        %jit3A_83 = arith.constant 0.000000e+00 : f32
        %broadcast_in_dim3A_84 = vector.broadcast %jit3A_83 : f32 to vector<16xf32>
        %select_n3A_85 = arith.select %eq3A_82, %get3A_79, %broadcast_in_dim3A_84 : vector<16xi1>, vector<16xf32>
        %reduce_sum3A_86 = arith.constant true
        %reduce_sum3A_87 = vector.broadcast %reduce_sum3A_86 : i1 to vector<16xi1>
        %reduce_sum3A_88 = tpu.scan <sum>, %select_n3A_85 masked %reduce_sum3A_87 : vector<16xf32>, vector<16xi1> -> vector<16xf32>
        %reduce_sum3A_89 = vector.extract %reduce_sum3A_88[15] : f32 from vector<16xf32>
        %mul3A_90 = arith.constant 80 : i32
        %mul3A_91 = arith.muli %scan3A_76, %mul3A_90 : i32
        %add3A_92 = arith.constant 0 : i32
        %add3A_93 = arith.addi %mul3A_91, %add3A_92 : i32
        %get3A_94 = arith.index_cast %add3A_93 : i32 to index
        %get3A_95 = tpu.vector_load %arg10[%get3A_94] {strides = array<i32>} : memref<40016xi32, #tpu.memory_space<vmem>>, vector<16xi32>,
        %mul3A_96 = arith.constant 80 : i32
        %mul3A_97 = arith.muli %scan3A_76, %mul3A_96 : i32
        %add3A_98 = arith.constant 0 : i32
        %add3A_99 = arith.addi %mul3A_97, %add3A_98 : i32
        %get3A_100 = arith.index_cast %add3A_99 : i32 to index
        %get3A_101 = tpu.vector_load %arg11[%get3A_100] {strides = array<i32>} : memref<40016xf32, #tpu.memory_space<vmem>>, vector<16xf32>,
        %mul3A_102 = vector.broadcast %reduce_sum3A_89 : f32 to vector<16xf32>
        %mul3A_103 = arith.mulf %mul3A_102, %get3A_101 : vector<16xf32>
        tpu.vector_store_idx %arg18[%get3A_95], %mul3A_103 {add = true} : memref<528xf32, #tpu.memory_space<vmem>>[vector<16xi32>], vector<16xf32>,
        %mul3A_104 = arith.constant 80 : i32
        %mul3A_105 = arith.muli %scan3A_76, %mul3A_104 : i32
        %add3A_106 = arith.constant 16 : i32
        %add3A_107 = arith.addi %mul3A_105, %add3A_106 : i32
        %get3A_108 = arith.index_cast %add3A_107 : i32 to index
        %get3A_109 = tpu.vector_load %arg10[%get3A_108] {strides = array<i32>} : memref<40016xi32, #tpu.memory_space<vmem>>, vector<16xi32>,
        %mul3A_110 = arith.constant 80 : i32
        %mul3A_111 = arith.muli %scan3A_76, %mul3A_110 : i32
        %add3A_112 = arith.constant 16 : i32
        %add3A_113 = arith.addi %mul3A_111, %add3A_112 : i32
        %get3A_114 = arith.index_cast %add3A_113 : i32 to index
        %get3A_115 = tpu.vector_load %arg11[%get3A_114] {strides = array<i32>} : memref<40016xf32, #tpu.memory_space<vmem>>, vector<16xf32>,
        %mul3A_116 = vector.broadcast %reduce_sum3A_89 : f32 to vector<16xf32>
        %mul3A_117 = arith.mulf %mul3A_116, %get3A_115 : vector<16xf32>
        tpu.vector_store_idx %arg18[%get3A_109], %mul3A_117 {add = true} : memref<528xf32, #tpu.memory_space<vmem>>[vector<16xi32>], vector<16xf32>,
        %mul3A_118 = arith.constant 80 : i32
        %mul3A_119 = arith.muli %scan3A_76, %mul3A_118 : i32
        %add3A_120 = arith.constant 32 : i32
        %add3A_121 = arith.addi %mul3A_119, %add3A_120 : i32
        %get3A_122 = arith.index_cast %add3A_121 : i32 to index
        %get3A_123 = tpu.vector_load %arg10[%get3A_122] {strides = array<i32>} : memref<40016xi32, #tpu.memory_space<vmem>>, vector<16xi32>,
        %mul3A_124 = arith.constant 80 : i32
        %mul3A_125 = arith.muli %scan3A_76, %mul3A_124 : i32
        %add3A_126 = arith.constant 32 : i32
        %add3A_127 = arith.addi %mul3A_125, %add3A_126 : i32
        %get3A_128 = arith.index_cast %add3A_127 : i32 to index
        %get3A_129 = tpu.vector_load %arg11[%get3A_128] {strides = array<i32>} : memref<40016xf32, #tpu.memory_space<vmem>>, vector<16xf32>,
        %mul3A_130 = vector.broadcast %reduce_sum3A_89 : f32 to vector<16xf32>
        %mul3A_131 = arith.mulf %mul3A_130, %get3A_129 : vector<16xf32>
        tpu.vector_store_idx %arg18[%get3A_123], %mul3A_131 {add = true} : memref<528xf32, #tpu.memory_space<vmem>>[vector<16xi32>], vector<16xf32>,
        %mul3A_132 = arith.constant 80 : i32
        %mul3A_133 = arith.muli %scan3A_76, %mul3A_132 : i32
        %add3A_134 = arith.constant 48 : i32
        %add3A_135 = arith.addi %mul3A_133, %add3A_134 : i32
        %get3A_136 = arith.index_cast %add3A_135 : i32 to index
        %get3A_137 = tpu.vector_load %arg10[%get3A_136] {strides = array<i32>} : memref<40016xi32, #tpu.memory_space<vmem>>, vector<16xi32>,
        %mul3A_138 = arith.constant 80 : i32
        %mul3A_139 = arith.muli %scan3A_76, %mul3A_138 : i32
        %add3A_140 = arith.constant 48 : i32
        %add3A_141 = arith.addi %mul3A_139, %add3A_140 : i32
        %get3A_142 = arith.index_cast %add3A_141 : i32 to index
        %get3A_143 = tpu.vector_load %arg11[%get3A_142] {strides = array<i32>} : memref<40016xf32, #tpu.memory_space<vmem>>, vector<16xf32>,
        %mul3A_144 = vector.broadcast %reduce_sum3A_89 : f32 to vector<16xf32>
        %mul3A_145 = arith.mulf %mul3A_144, %get3A_143 : vector<16xf32>
        tpu.vector_store_idx %arg18[%get3A_137], %mul3A_145 {add = true} : memref<528xf32, #tpu.memory_space<vmem>>[vector<16xi32>], vector<16xf32>,
        %mul3A_146 = arith.constant 80 : i32
        %mul3A_147 = arith.muli %scan3A_76, %mul3A_146 : i32
        %add3A_148 = arith.constant 64 : i32
        %add3A_149 = arith.addi %mul3A_147, %add3A_148 : i32
        %get3A_150 = arith.index_cast %add3A_149 : i32 to index
        %get3A_151 = tpu.vector_load %arg10[%get3A_150] {strides = array<i32>} : memref<40016xi32, #tpu.memory_space<vmem>>, vector<16xi32>,
        %mul3A_152 = arith.constant 80 : i32
        %mul3A_153 = arith.muli %scan3A_76, %mul3A_152 : i32
        %add3A_154 = arith.constant 64 : i32
        %add3A_155 = arith.addi %mul3A_153, %add3A_154 : i32
        %get3A_156 = arith.index_cast %add3A_155 : i32 to index
        %get3A_157 = tpu.vector_load %arg11[%get3A_156] {strides = array<i32>} : memref<40016xf32, #tpu.memory_space<vmem>>, vector<16xf32>,
        %mul3A_158 = vector.broadcast %reduce_sum3A_89 : f32 to vector<16xf32>
        %mul3A_159 = arith.mulf %mul3A_158, %get3A_157 : vector<16xf32>
        tpu.vector_store_idx %arg18[%get3A_151], %mul3A_159 {add = true} : memref<528xf32, #tpu.memory_space<vmem>>[vector<16xi32>], vector<16xf32>,
        %scan3A_160 = arith.constant 0 : i32
        scf.yield %scan3A_160 : i32
      }
      %scan3A_39 = arith.constant 500 : i32
      %scan3A_40 = arith.constant 0 : i32
      %scan3A_41 = arith.constant 32 : i32
      %scan3A_42 = arith.addi %scan3A_40, %scan3A_41 : i32
      %scan3A_43 = arith.constant 1 : i32
      %scan3A_44:2 = scf.for %scan3A_76 = %scan3A_40 to %scan3A_42 step %scan3A_43 iter_args(%scan3A_77 = %broadcast_in_dim3A_3, %scan3A_78 = %broadcast_in_dim3A_3) -> (vector<16xf32>, vector<16xf32>)  : i32 {
        %mul3A_79 = arith.constant 16 : i32
        %mul3A_80 = arith.muli %scan3A_76, %mul3A_79 : i32
        %get3A_81 = arith.index_cast %mul3A_80 : i32 to index
        %get3A_82 = tpu.vector_load %arg14[%get3A_81] {strides = array<i32>} : memref<528xf32, #tpu.memory_space<vmem>>, vector<16xf32>,
        %get3A_83 = arith.index_cast %mul3A_80 : i32 to index
        %get3A_84 = tpu.vector_load %arg18[%get3A_83] {strides = array<i32>} : memref<528xf32, #tpu.memory_space<vmem>>, vector<16xf32>,
        %mul3A_85 = arith.mulf %get3A_82, %get3A_84 : vector<16xf32>
        %add3A_86 = arith.addf %scan3A_77, %mul3A_85 : vector<16xf32>
        %get3A_87 = arith.index_cast %mul3A_80 : i32 to index
        %get3A_88 = tpu.vector_load %arg15[%get3A_87] {strides = array<i32>} : memref<528xf32, #tpu.memory_space<vmem>>, vector<16xf32>,
        %mul3A_89 = arith.mulf %get3A_82, %get3A_88 : vector<16xf32>
        %add3A_90 = arith.addf %scan3A_78, %mul3A_89 : vector<16xf32>
        scf.yield %add3A_86, %add3A_90 : vector<16xf32>, vector<16xf32>
      }
      %scan3A_45 = arith.constant 32 : i32
      %reduce_sum3A_46 = arith.constant true
      %reduce_sum3A_47 = vector.broadcast %reduce_sum3A_46 : i1 to vector<16xi1>
      %reduce_sum3A_48 = tpu.scan <sum>, %scan3A_44#0 masked %reduce_sum3A_47 : vector<16xf32>, vector<16xi1> -> vector<16xf32>
      %reduce_sum3A_49 = vector.extract %reduce_sum3A_48[15] : f32 from vector<16xf32>
      %mul3A_50 = arith.constant 5.000000e-01 : f32
      %mul3A_51 = arith.mulf %mul3A_50, %reduce_sum3A_49 : f32
      %reduce_sum3A_52 = arith.constant true
      %reduce_sum3A_53 = vector.broadcast %reduce_sum3A_52 : i1 to vector<16xi1>
      %reduce_sum3A_54 = tpu.scan <sum>, %scan3A_44#1 masked %reduce_sum3A_53 : vector<16xf32>, vector<16xi1> -> vector<16xf32>
      %reduce_sum3A_55 = vector.extract %reduce_sum3A_54[15] : f32 from vector<16xf32>
      %scan3A_56 = arith.constant 0 : i32
      %scan3A_57 = arith.constant 0 : i32
      %scan3A_58 = arith.constant 500 : i32
      %scan3A_59 = arith.addi %scan3A_57, %scan3A_58 : i32
      %scan3A_60 = arith.constant 1 : i32
      %scan3A_61 = scf.for %scan3A_76 = %scan3A_57 to %scan3A_59 step %scan3A_60 iter_args(%scan3A_77 = %scan3A_56) -> (i32)  : i32 {
        %broadcast_in_dim3A_78 = arith.constant -2.000000e+00 : f32
        %broadcast_in_dim3A_79 = vector.broadcast %broadcast_in_dim3A_78 : f32 to vector<16xf32>
        %scan3A_80 = arith.constant 0 : i32
        %scan3A_81 = arith.constant 32 : i32
        %scan3A_82 = arith.addi %scan3A_80, %scan3A_81 : i32
        %scan3A_83 = arith.constant 1 : i32
        %scan3A_84 = scf.for %scan3A_160 = %scan3A_80 to %scan3A_82 step %scan3A_83 iter_args(%scan3A_161 = %broadcast_in_dim3A_79) -> (vector<16xf32>)  : i32 {
          %mul3A_162 = arith.constant 16 : i32
          %mul3A_163 = arith.muli %scan3A_160, %mul3A_162 : i32
          %get3A_164 = arith.index_cast %mul3A_163 : i32 to index
          %get3A_165 = tpu.vector_load %arg17[%get3A_164] {strides = array<i32>} : memref<512xf32, #tpu.memory_space<vmem>>, vector<16xf32>,
          %max3A = arith.maximumf %scan3A_161, %get3A_165 : vector<16xf32>
          scf.yield %max3A : vector<16xf32>
        }
        %scan3A_85 = arith.constant 32 : i32
        %reduce_max3A = arith.constant true
        %reduce_max3A_86 = vector.broadcast %reduce_max3A : i1 to vector<16xi1>
        %reduce_max3A_87 = tpu.scan <max>, %scan3A_84 masked %reduce_max3A_86 : vector<16xf32>, vector<16xi1> -> vector<16xf32>
        %reduce_max3A_88 = vector.extract %reduce_max3A_87[15] : f32 from vector<16xf32>
        %broadcast_in_dim3A_89 = arith.constant 100000 : i32
        %broadcast_in_dim3A_90 = vector.broadcast %broadcast_in_dim3A_89 : i32 to vector<16xi32>
        %scan3A_91 = arith.constant 0 : i32
        %scan3A_92 = arith.constant 32 : i32
        %scan3A_93 = arith.addi %scan3A_91, %scan3A_92 : i32
        %scan3A_94 = arith.constant 1 : i32
        %scan3A_95 = scf.for %scan3A_160 = %scan3A_91 to %scan3A_93 step %scan3A_94 iter_args(%scan3A_161 = %broadcast_in_dim3A_90) -> (vector<16xi32>)  : i32 {
          %mul3A_162 = arith.constant 16 : i32
          %mul3A_163 = arith.muli %scan3A_160, %mul3A_162 : i32
          %get3A_164 = arith.index_cast %mul3A_163 : i32 to index
          %get3A_165 = tpu.vector_load %arg17[%get3A_164] {strides = array<i32>} : memref<512xf32, #tpu.memory_space<vmem>>, vector<16xf32>,
          %eq3A_166 = vector.broadcast %reduce_max3A_88 : f32 to vector<16xf32>
          %eq3A_167 = arith.cmpf oeq, %get3A_165, %eq3A_166 : vector<16xf32>
          %mul3A_168 = arith.constant 16 : i32
          %mul3A_169 = arith.muli %scan3A_160, %mul3A_168 : i32
          %add3A_170 = vector.broadcast %mul3A_169 : i32 to vector<16xi32>
          %add3A_171 = arith.addi %add3A_170, %iota3A : vector<16xi32>
          %jit3A_172 = arith.constant 100000 : i32
          %broadcast_in_dim3A_173 = vector.broadcast %jit3A_172 : i32 to vector<16xi32>
          %select_n3A_174 = arith.select %eq3A_167, %add3A_171, %broadcast_in_dim3A_173 : vector<16xi1>, vector<16xi32>
          %min3A = arith.minsi %scan3A_161, %select_n3A_174 : vector<16xi32>
          scf.yield %min3A : vector<16xi32>
        }
        %scan3A_96 = arith.constant 32 : i32
        %reduce_min3A = arith.constant true
        %reduce_min3A_97 = vector.broadcast %reduce_min3A : i1 to vector<16xi1>
        %reduce_min3A_98 = arith.constant -2147483648 : i32
        %reduce_min3A_99 = vector.broadcast %reduce_min3A_98 : i32 to vector<16xi32>
        %reduce_min3A_100 = arith.xori %scan3A_95, %reduce_min3A_99 : vector<16xi32>
        %reduce_min3A_101 = tpu.scan <min>, %reduce_min3A_100 masked %reduce_min3A_97 : vector<16xi32>, vector<16xi1> -> vector<16xi32>
        %reduce_min3A_102 = arith.xori %reduce_min3A_101, %reduce_min3A_99 : vector<16xi32>
        %reduce_min3A_103 = vector.extract %reduce_min3A_102[15] : i32 from vector<16xi32>
        %jit3A_104 = arith.constant 16 : i32
        %div3A = arith.divsi %reduce_min3A_103, %jit3A_104 : i32
        %sign3A = arith.constant 0 : i32
        %sign3A_105 = arith.cmpi sgt, %reduce_min3A_103, %sign3A : i32
        %sign3A_106 = arith.extui %sign3A_105 : i1 to i32
        %sign3A_107 = arith.constant 0 : i32
        %sign3A_108 = arith.cmpi slt, %reduce_min3A_103, %sign3A_107 : i32
        %sign3A_109 = arith.extui %sign3A_108 : i1 to i32
        %sign3A_110 = arith.subi %sign3A_106, %sign3A_109 : i32
        %sign3A_111 = arith.constant 0 : i32
        %sign3A_112 = arith.cmpi sgt, %jit3A_104, %sign3A_111 : i32
        %sign3A_113 = arith.extui %sign3A_112 : i1 to i32
        %sign3A_114 = arith.constant 0 : i32
        %sign3A_115 = arith.cmpi slt, %jit3A_104, %sign3A_114 : i32
        %sign3A_116 = arith.extui %sign3A_115 : i1 to i32
        %sign3A_117 = arith.subi %sign3A_113, %sign3A_116 : i32
        %ne3A = arith.cmpi ne, %sign3A_110, %sign3A_117 : i32
        %rem3A = arith.remsi %reduce_min3A_103, %jit3A_104 : i32
        %ne3A_118 = arith.constant 0 : i32
        %ne3A_119 = arith.cmpi ne, %rem3A, %ne3A_118 : i32
        %and3A = arith.andi %ne3A, %ne3A_119 : i1
        %sub3A = arith.constant 1 : i32
        %sub3A_120 = arith.subi %div3A, %sub3A : i32
        %select_n3A_121 = arith.select %and3A, %sub3A_120, %div3A : i32
        %mul3A_122 = arith.constant 16 : i32
        %mul3A_123 = arith.muli %select_n3A_121, %mul3A_122 : i32
        %jit3A_124 = arith.constant 16 : i32
        %eq3A_125 = arith.constant 0 : i32
        %eq3A_126 = arith.cmpi eq, %jit3A_124, %eq3A_125 : i32
        %jit3A_127 = arith.constant 1 : i32
        %select_n3A_128 = arith.select %eq3A_126, %jit3A_127, %jit3A_124 : i32
        %rem3A_129 = arith.remsi %reduce_min3A_103, %select_n3A_128 : i32
        %ne3A_130 = arith.constant 0 : i32
        %ne3A_131 = arith.cmpi ne, %rem3A_129, %ne3A_130 : i32
        %lt3A_132 = arith.constant 0 : i32
        %lt3A_133 = arith.cmpi slt, %rem3A_129, %lt3A_132 : i32
        %lt3A_134 = arith.constant 0 : i32
        %lt3A_135 = arith.cmpi slt, %select_n3A_128, %lt3A_134 : i32
        %ne3A_136 = arith.xori %lt3A_133, %lt3A_135 : i1
        %and3A_137 = arith.andi %ne3A_136, %ne3A_131 : i1
        %add3A_138 = arith.addi %rem3A_129, %select_n3A_128 : i32
        %select_n3A_139 = arith.select %and3A_137, %add3A_138, %rem3A_129 : i32
        %get3A_140 = arith.index_cast %mul3A_123 : i32 to index
        %get3A_141 = tpu.vector_load %arg17[%get3A_140] {strides = array<i32>} : memref<512xf32, #tpu.memory_space<vmem>>, vector<16xf32>,
        %eq3A_142 = vector.broadcast %select_n3A_139 : i32 to vector<16xi32>
        %eq3A_143 = arith.cmpi eq, %iota3A, %eq3A_142 : vector<16xi32>
        %jit3A_144 = arith.constant -1.000000e+00 : f32
        %broadcast_in_dim3A_145 = vector.broadcast %jit3A_144 : f32 to vector<16xf32>
        %select_n3A_146 = arith.select %eq3A_143, %broadcast_in_dim3A_145, %get3A_141 : vector<16xi1>, vector<16xf32>
        %swap3A = arith.index_cast %mul3A_123 : i32 to index
        %swap3A_147 = tpu.vector_load %arg17[%swap3A] {strides = array<i32>} : memref<512xf32, #tpu.memory_space<vmem>>, vector<16xf32>,
        tpu.vector_store %arg17[%swap3A], %select_n3A_146 {strides = array<i32>} : memref<512xf32, #tpu.memory_space<vmem>>, vector<16xf32>,
        %broadcast_in_dim3A_148 = arith.constant 0 : i32
        %broadcast_in_dim3A_149 = vector.broadcast %broadcast_in_dim3A_148 : i32 to vector<16xi32>
        %add3A_150 = vector.broadcast %scan3A_76 : i32 to vector<16xi32>
        %add3A_151 = arith.addi %broadcast_in_dim3A_149, %add3A_150 : vector<16xi32>
        %broadcast_in_dim3A_152 = arith.constant 0 : i32
        %broadcast_in_dim3A_153 = vector.broadcast %broadcast_in_dim3A_152 : i32 to vector<16xi32>
        %add3A_154 = vector.broadcast %reduce_min3A_103 : i32 to vector<16xi32>
        %add3A_155 = arith.addi %broadcast_in_dim3A_153, %add3A_154 : vector<16xi32>
        %eq3A_156 = arith.constant 0 : i32
        %eq3A_157 = vector.broadcast %eq3A_156 : i32 to vector<16xi32>
        %eq3A_158 = arith.cmpi eq, %iota3A, %eq3A_157 : vector<16xi32>
        tpu.vector_store_idx %arg22[%add3A_151], %add3A_155 masked %eq3A_158 : memref<528xi32, #tpu.memory_space<vmem>>[vector<16xi32>], vector<16xi32>, vector<16xi1>
        %scan3A_159 = arith.constant 0 : i32
        scf.yield %scan3A_159 : i32
      }
      %scan3A_62 = arith.constant 500 : i32
      %scan3A_63 = arith.constant 0 : i32
      %scan3A_64 = arith.constant 500 : i32
      %scan3A_65 = arith.addi %scan3A_63, %scan3A_64 : i32
      %scan3A_66 = arith.constant 1 : i32
      %scan3A_67:2 = scf.for %scan3A_76 = %scan3A_63 to %scan3A_65 step %scan3A_66 iter_args(%scan3A_77 = %mul3A_51, %scan3A_78 = %reduce_sum3A_55) -> (f32, f32)  : i32 {
        %get3A_79 = arith.index_cast %scan3A_76 : i32 to index
        %get3A_80 = tpu.vector_load %arg22[%get3A_79] {strides = array<i32>} : memref<528xi32, #tpu.memory_space<vmem>>, vector<16xi32>,
        %slice3A = vector.extract_strided_slice %get3A_80 {offsets = [0], sizes = [1], strides = [1]} : vector<16xi32> to vector<1xi32>
        %squeeze3A = vector.extract %slice3A[0] : i32 from vector<1xi32>
        %get3A_81 = arith.index_cast %squeeze3A : i32 to index
        %get3A_82 = tpu.vector_load %arg23[%get3A_81] {strides = array<i32>} : memref<528xi32, #tpu.memory_space<vmem>>, vector<16xi32>,
        %slice3A_83 = vector.extract_strided_slice %get3A_82 {offsets = [0], sizes = [1], strides = [1]} : vector<16xi32> to vector<1xi32>
        %squeeze3A_84 = vector.extract %slice3A_83[0] : i32 from vector<1xi32>
        %get3A_85 = arith.index_cast %squeeze3A : i32 to index
        %get3A_86 = tpu.vector_load %arg13[%get3A_85] {strides = array<i32>} : memref<528xi32, #tpu.memory_space<vmem>>, vector<16xi32>,
        %slice3A_87 = vector.extract_strided_slice %get3A_86 {offsets = [0], sizes = [1], strides = [1]} : vector<16xi32> to vector<1xi32>
        %squeeze3A_88 = vector.extract %slice3A_87[0] : i32 from vector<1xi32>
        %eq3A_89 = arith.constant 0 : i32
        %eq3A_90 = arith.cmpi eq, %squeeze3A_84, %eq3A_89 : i32
        %eq3A_91 = arith.constant 0 : i32
        %eq3A_92 = arith.cmpi eq, %squeeze3A_88, %eq3A_91 : i32
        %or3A = arith.ori %eq3A_90, %eq3A_92 : i1
        %convert_element_type3A_93 = arith.extui %or3A : i1 to i32
        %cond3A_94 = arith.constant 0 : i32
        %cond3A_95 = arith.cmpi ne, %convert_element_type3A_93, %cond3A_94 : i32
        %cond3A_96:2 = scf.if %cond3A_95 -> (f32, f32) {
          %mul3A_97 = arith.constant 48 : i32
          %mul3A_98 = arith.muli %squeeze3A, %mul3A_97 : i32
          %add3A_99 = arith.constant 0 : i32
          %add3A_100 = arith.addi %mul3A_98, %add3A_99 : i32
          %get3A_101 = arith.index_cast %add3A_100 : i32 to index
          %get3A_102 = tpu.vector_load %arg12[%get3A_101] {strides = array<i32>} : memref<24016xi32, #tpu.memory_space<vmem>>, vector<16xi32>,
          %add3A_103 = arith.constant 16 : i32
          %add3A_104 = arith.addi %mul3A_98, %add3A_103 : i32
          %get3A_105 = arith.index_cast %add3A_104 : i32 to index
          %get3A_106 = tpu.vector_load %arg12[%get3A_105] {strides = array<i32>} : memref<24016xi32, #tpu.memory_space<vmem>>, vector<16xi32>,
          %add3A_107 = arith.constant 32 : i32
          %add3A_108 = arith.addi %mul3A_98, %add3A_107 : i32
          %get3A_109 = arith.index_cast %add3A_108 : i32 to index
          %get3A_110 = tpu.vector_load %arg12[%get3A_109] {strides = array<i32>} : memref<24016xi32, #tpu.memory_space<vmem>>, vector<16xi32>,
          %broadcast_in_dim3A_111 = arith.constant false
          %broadcast_in_dim3A_112 = vector.broadcast %broadcast_in_dim3A_111 : i1 to vector<16xi1>
          %eq3A_113 = vector.broadcast %squeeze3A : i32 to vector<16xi32>
          %eq3A_114 = arith.cmpi eq, %get3A_102, %eq3A_113 : vector<16xi32>
          %or3A_115 = arith.ori %broadcast_in_dim3A_112, %eq3A_114 : vector<16xi1>
          %eq3A_116 = vector.broadcast %squeeze3A : i32 to vector<16xi32>
          %eq3A_117 = arith.cmpi eq, %get3A_106, %eq3A_116 : vector<16xi32>
          %or3A_118 = arith.ori %or3A_115, %eq3A_117 : vector<16xi1>
          %eq3A_119 = vector.broadcast %squeeze3A : i32 to vector<16xi32>
          %eq3A_120 = arith.cmpi eq, %get3A_110, %eq3A_119 : vector<16xi32>
          %or3A_121 = arith.ori %or3A_118, %eq3A_120 : vector<16xi1>
          %reduce_or3A = arith.constant 1.000000e+00 : f32
          %reduce_or3A_122 = arith.constant 0.000000e+00 : f32
          %reduce_or3A_123 = vector.broadcast %reduce_or3A : f32 to vector<16xf32>
          %reduce_or3A_124 = vector.broadcast %reduce_or3A_122 : f32 to vector<16xf32>
          %reduce_or3A_125 = arith.select %or3A_121, %reduce_or3A_123, %reduce_or3A_124 : vector<16xi1>, vector<16xf32>
          %reduce_or3A_126 = arith.constant true
          %reduce_or3A_127 = vector.broadcast %reduce_or3A_126 : i1 to vector<16xi1>
          %reduce_or3A_128 = tpu.scan <max>, %reduce_or3A_125 masked %reduce_or3A_127 : vector<16xf32>, vector<16xi1> -> vector<16xf32>
          %reduce_or3A_129 = vector.extract %reduce_or3A_128[15] : f32 from vector<16xf32>
          %reduce_or3A_130 = arith.constant 0.000000e+00 : f32
          %reduce_or3A_131 = arith.cmpf ogt, %reduce_or3A_129, %reduce_or3A_130 : f32
          %broadcast_in_dim3A_132 = arith.constant 0 : i32
          %broadcast_in_dim3A_133 = vector.broadcast %broadcast_in_dim3A_132 : i32 to vector<16xi32>
          %add3A_134 = vector.broadcast %squeeze3A : i32 to vector<16xi32>
          %add3A_135 = arith.addi %broadcast_in_dim3A_133, %add3A_134 : vector<16xi32>
          %eq3A_136 = arith.constant 0 : i32
          %eq3A_137 = vector.broadcast %eq3A_136 : i32 to vector<16xi32>
          %eq3A_138 = arith.cmpi eq, %iota3A, %eq3A_137 : vector<16xi32>
          %gather3A = tpu.vector_load_idx %arg14[%get3A_102] : memref<528xf32, #tpu.memory_space<vmem>>[vector<16xi32>], vector<16xf32>,
          %neg3A = arith.constant 0.000000e+00 : f32
          %neg3A_139 = vector.broadcast %neg3A : f32 to vector<16xf32>
          %neg3A_140 = arith.subf %neg3A_139, %gather3A : vector<16xf32>
          %gather3A_141 = tpu.vector_load_idx %arg14[%get3A_106] : memref<528xf32, #tpu.memory_space<vmem>>[vector<16xi32>], vector<16xf32>,
          %neg3A_142 = arith.constant 0.000000e+00 : f32
          %neg3A_143 = vector.broadcast %neg3A_142 : f32 to vector<16xf32>
          %neg3A_144 = arith.subf %neg3A_143, %gather3A_141 : vector<16xf32>
          %gather3A_145 = tpu.vector_load_idx %arg14[%get3A_110] : memref<528xf32, #tpu.memory_space<vmem>>[vector<16xi32>], vector<16xf32>,
          %neg3A_146 = arith.constant 0.000000e+00 : f32
          %neg3A_147 = vector.broadcast %neg3A_146 : f32 to vector<16xf32>
          %neg3A_148 = arith.subf %neg3A_147, %gather3A_145 : vector<16xf32>
          tpu.vector_store_idx %arg19[%get3A_102], %neg3A_140 : memref<528xf32, #tpu.memory_space<vmem>>[vector<16xi32>], vector<16xf32>,
          tpu.vector_store_idx %arg19[%get3A_106], %neg3A_144 : memref<528xf32, #tpu.memory_space<vmem>>[vector<16xi32>], vector<16xf32>,
          tpu.vector_store_idx %arg19[%get3A_110], %neg3A_148 : memref<528xf32, #tpu.memory_space<vmem>>[vector<16xi32>], vector<16xf32>,
          %get3A_149 = arith.index_cast %squeeze3A : i32 to index
          %get3A_150 = tpu.vector_load %arg14[%get3A_149] {strides = array<i32>} : memref<528xf32, #tpu.memory_space<vmem>>, vector<16xf32>,
          %eq3A_151 = arith.constant 0 : i32
          %eq3A_152 = vector.broadcast %eq3A_151 : i32 to vector<16xi32>
          %eq3A_153 = arith.cmpi eq, %iota3A, %eq3A_152 : vector<16xi32>
          %jit3A_154 = arith.constant 0.000000e+00 : f32
          %broadcast_in_dim3A_155 = vector.broadcast %jit3A_154 : f32 to vector<16xf32>
          %select_n3A_156 = arith.select %eq3A_153, %get3A_150, %broadcast_in_dim3A_155 : vector<16xi1>, vector<16xf32>
          %reduce_sum3A_157 = arith.constant true
          %reduce_sum3A_158 = vector.broadcast %reduce_sum3A_157 : i1 to vector<16xi1>
          %reduce_sum3A_159 = tpu.scan <sum>, %select_n3A_156 masked %reduce_sum3A_158 : vector<16xf32>, vector<16xi1> -> vector<16xf32>
          %reduce_sum3A_160 = vector.extract %reduce_sum3A_159[15] : f32 from vector<16xf32>
          %sub3A = arith.constant 1.000000e+00 : f32
          %sub3A_161 = arith.subf %sub3A, %reduce_sum3A_160 : f32
          %jit3A_162 = arith.constant 0.000000e+00 : f32
          %select_n3A_163 = arith.select %reduce_or3A_131, %jit3A_162, %sub3A_161 : f32
          %gather3A_164 = tpu.vector_load_idx %arg14[%add3A_135] : memref<528xf32, #tpu.memory_space<vmem>>[vector<16xi32>], vector<16xf32>,
          %sub3A_165 = arith.constant 1.000000e+00 : f32
          %sub3A_166 = vector.broadcast %sub3A_165 : f32 to vector<16xf32>
          %sub3A_167 = arith.subf %sub3A_166, %gather3A_164 : vector<16xf32>
          %broadcast_in_dim3A_168 = arith.constant 0 : i32
          %broadcast_in_dim3A_169 = vector.broadcast %broadcast_in_dim3A_168 : i32 to vector<16xi32>
          %jit3A_170 = arith.constant 512 : i32
          %select_n3A_171 = arith.select %reduce_or3A_131, %jit3A_170, %squeeze3A : i32
          %add3A_172 = vector.broadcast %select_n3A_171 : i32 to vector<16xi32>
          %add3A_173 = arith.addi %broadcast_in_dim3A_169, %add3A_172 : vector<16xi32>
          tpu.vector_store_idx %arg19[%add3A_173], %sub3A_167 masked %eq3A_138 : memref<528xf32, #tpu.memory_space<vmem>>[vector<16xi32>], vector<16xf32>, vector<16xi1>
          %gather3A_174 = tpu.vector_load_idx %arg15[%get3A_102] : memref<528xf32, #tpu.memory_space<vmem>>[vector<16xi32>], vector<16xf32>,
          %mul3A_175 = arith.mulf %neg3A_140, %gather3A_174 : vector<16xf32>
          %add3A_176 = arith.addf %broadcast_in_dim3A_3, %mul3A_175 : vector<16xf32>
          %gather3A_177 = tpu.vector_load_idx %arg18[%get3A_102] : memref<528xf32, #tpu.memory_space<vmem>>[vector<16xi32>], vector<16xf32>,
          %mul3A_178 = arith.mulf %neg3A_140, %gather3A_177 : vector<16xf32>
          %add3A_179 = arith.addf %broadcast_in_dim3A_3, %mul3A_178 : vector<16xf32>
          %gather3A_180 = tpu.vector_load_idx %arg15[%get3A_106] : memref<528xf32, #tpu.memory_space<vmem>>[vector<16xi32>], vector<16xf32>,
          %mul3A_181 = arith.mulf %neg3A_144, %gather3A_180 : vector<16xf32>
          %add3A_182 = arith.addf %add3A_176, %mul3A_181 : vector<16xf32>
          %gather3A_183 = tpu.vector_load_idx %arg18[%get3A_106] : memref<528xf32, #tpu.memory_space<vmem>>[vector<16xi32>], vector<16xf32>,
          %mul3A_184 = arith.mulf %neg3A_144, %gather3A_183 : vector<16xf32>
          %add3A_185 = arith.addf %add3A_179, %mul3A_184 : vector<16xf32>
          %gather3A_186 = tpu.vector_load_idx %arg15[%get3A_110] : memref<528xf32, #tpu.memory_space<vmem>>[vector<16xi32>], vector<16xf32>,
          %mul3A_187 = arith.mulf %neg3A_148, %gather3A_186 : vector<16xf32>
          %add3A_188 = arith.addf %add3A_182, %mul3A_187 : vector<16xf32>
          %gather3A_189 = tpu.vector_load_idx %arg18[%get3A_110] : memref<528xf32, #tpu.memory_space<vmem>>[vector<16xi32>], vector<16xf32>,
          %mul3A_190 = arith.mulf %neg3A_148, %gather3A_189 : vector<16xf32>
          %add3A_191 = arith.addf %add3A_185, %mul3A_190 : vector<16xf32>
          %reduce_sum3A_192 = arith.constant true
          %reduce_sum3A_193 = vector.broadcast %reduce_sum3A_192 : i1 to vector<16xi1>
          %reduce_sum3A_194 = tpu.scan <sum>, %add3A_188 masked %reduce_sum3A_193 : vector<16xf32>, vector<16xi1> -> vector<16xf32>
          %reduce_sum3A_195 = vector.extract %reduce_sum3A_194[15] : f32 from vector<16xf32>
          %get3A_196 = arith.index_cast %squeeze3A : i32 to index
          %get3A_197 = tpu.vector_load %arg15[%get3A_196] {strides = array<i32>} : memref<528xf32, #tpu.memory_space<vmem>>, vector<16xf32>,
          %eq3A_198 = arith.constant 0 : i32
          %eq3A_199 = vector.broadcast %eq3A_198 : i32 to vector<16xi32>
          %eq3A_200 = arith.cmpi eq, %iota3A, %eq3A_199 : vector<16xi32>
          %jit3A_201 = arith.constant 0.000000e+00 : f32
          %broadcast_in_dim3A_202 = vector.broadcast %jit3A_201 : f32 to vector<16xf32>
          %select_n3A_203 = arith.select %eq3A_200, %get3A_197, %broadcast_in_dim3A_202 : vector<16xi1>, vector<16xf32>
          %reduce_sum3A_204 = arith.constant true
          %reduce_sum3A_205 = vector.broadcast %reduce_sum3A_204 : i1 to vector<16xi1>
          %reduce_sum3A_206 = tpu.scan <sum>, %select_n3A_203 masked %reduce_sum3A_205 : vector<16xf32>, vector<16xi1> -> vector<16xf32>
          %reduce_sum3A_207 = vector.extract %reduce_sum3A_206[15] : f32 from vector<16xf32>
          %mul3A_208 = arith.mulf %reduce_sum3A_207, %select_n3A_163 : f32
          %add3A_209 = arith.addf %reduce_sum3A_195, %mul3A_208 : f32
          %reduce_sum3A_210 = arith.constant true
          %reduce_sum3A_211 = vector.broadcast %reduce_sum3A_210 : i1 to vector<16xi1>
          %reduce_sum3A_212 = tpu.scan <sum>, %add3A_191 masked %reduce_sum3A_211 : vector<16xf32>, vector<16xi1> -> vector<16xf32>
          %reduce_sum3A_213 = vector.extract %reduce_sum3A_212[15] : f32 from vector<16xf32>
          %get3A_214 = arith.index_cast %squeeze3A : i32 to index
          %get3A_215 = tpu.vector_load %arg18[%get3A_214] {strides = array<i32>} : memref<528xf32, #tpu.memory_space<vmem>>, vector<16xf32>,
          %eq3A_216 = arith.constant 0 : i32
          %eq3A_217 = vector.broadcast %eq3A_216 : i32 to vector<16xi32>
          %eq3A_218 = arith.cmpi eq, %iota3A, %eq3A_217 : vector<16xi32>
          %jit3A_219 = arith.constant 0.000000e+00 : f32
          %broadcast_in_dim3A_220 = vector.broadcast %jit3A_219 : f32 to vector<16xf32>
          %select_n3A_221 = arith.select %eq3A_218, %get3A_215, %broadcast_in_dim3A_220 : vector<16xi1>, vector<16xf32>
          %reduce_sum3A_222 = arith.constant true
          %reduce_sum3A_223 = vector.broadcast %reduce_sum3A_222 : i1 to vector<16xi1>
          %reduce_sum3A_224 = tpu.scan <sum>, %select_n3A_221 masked %reduce_sum3A_223 : vector<16xf32>, vector<16xi1> -> vector<16xf32>
          %reduce_sum3A_225 = vector.extract %reduce_sum3A_224[15] : f32 from vector<16xf32>
          %mul3A_226 = arith.mulf %reduce_sum3A_225, %select_n3A_163 : f32
          %add3A_227 = arith.addf %reduce_sum3A_213, %mul3A_226 : f32
          %while3A = arith.constant 0 : i32
          %while3A_228 = arith.constant 0.000000e+00 : f32
          %while3A_229 = arith.subi %squeeze3A_88, %while3A : i32
          %while3A_230 = arith.addi %while3A, %while3A_229 : i32
          %while3A_231 = arith.constant 1 : i32
          %while3A_232 = arith.divsi %while3A_229, %while3A_231 : i32
          %while3A_233 = arith.muli %while3A_232, %while3A_231 : i32
          %while3A_234 = arith.addi %while3A, %while3A_233 : i32
          %while3A_235 = arith.constant 1 : i32
          %while3A_236 = scf.for %while3A_348 = %while3A to %while3A_234 step %while3A_235 iter_args(%while3A_349 = %while3A_228) -> (f32)  : i32 {
            %add3A_350 = arith.addi %mul3A_98, %while3A_348 : i32
            %get3A_351 = arith.index_cast %add3A_350 : i32 to index
            %get3A_352 = tpu.vector_load %arg12[%get3A_351] {strides = array<i32>} : memref<24016xi32, #tpu.memory_space<vmem>>, vector<16xi32>,
            %slice3A_353 = vector.extract_strided_slice %get3A_352 {offsets = [0], sizes = [1], strides = [1]} : vector<16xi32> to vector<1xi32>
            %squeeze3A_354 = vector.extract %slice3A_353[0] : i32 from vector<1xi32>
            %get3A_355 = arith.index_cast %squeeze3A_354 : i32 to index
            %get3A_356 = tpu.vector_load %arg19[%get3A_355] {strides = array<i32>} : memref<528xf32, #tpu.memory_space<vmem>>, vector<16xf32>,
            %eq3A_357 = arith.constant 0 : i32
            %eq3A_358 = vector.broadcast %eq3A_357 : i32 to vector<16xi32>
            %eq3A_359 = arith.cmpi eq, %iota3A, %eq3A_358 : vector<16xi32>
            %jit3A_360 = arith.constant 0.000000e+00 : f32
            %broadcast_in_dim3A_361 = vector.broadcast %jit3A_360 : f32 to vector<16xf32>
            %select_n3A_362 = arith.select %eq3A_359, %get3A_356, %broadcast_in_dim3A_361 : vector<16xi1>, vector<16xf32>
            %reduce_sum3A_363 = arith.constant true
            %reduce_sum3A_364 = vector.broadcast %reduce_sum3A_363 : i1 to vector<16xi1>
            %reduce_sum3A_365 = tpu.scan <sum>, %select_n3A_362 masked %reduce_sum3A_364 : vector<16xf32>, vector<16xi1> -> vector<16xf32>
            %reduce_sum3A_366 = vector.extract %reduce_sum3A_365[15] : f32 from vector<16xf32>
            %mul3A_367 = arith.constant 80 : i32
            %mul3A_368 = arith.muli %squeeze3A_354, %mul3A_367 : i32
            %add3A_369 = arith.constant 0 : i32
            %add3A_370 = arith.addi %mul3A_368, %add3A_369 : i32
            %get3A_371 = arith.index_cast %add3A_370 : i32 to index
            %get3A_372 = tpu.vector_load %arg10[%get3A_371] {strides = array<i32>} : memref<40016xi32, #tpu.memory_space<vmem>>, vector<16xi32>,
            %mul3A_373 = arith.constant 80 : i32
            %mul3A_374 = arith.muli %squeeze3A_354, %mul3A_373 : i32
            %add3A_375 = arith.constant 0 : i32
            %add3A_376 = arith.addi %mul3A_374, %add3A_375 : i32
            %get3A_377 = arith.index_cast %add3A_376 : i32 to index
            %get3A_378 = tpu.vector_load %arg11[%get3A_377] {strides = array<i32>} : memref<40016xf32, #tpu.memory_space<vmem>>, vector<16xf32>,
            %gather3A_379 = tpu.vector_load_idx %arg19[%get3A_372] : memref<528xf32, #tpu.memory_space<vmem>>[vector<16xi32>], vector<16xf32>,
            %mul3A_380 = arith.mulf %get3A_378, %gather3A_379 : vector<16xf32>
            %add3A_381 = arith.addf %broadcast_in_dim3A_3, %mul3A_380 : vector<16xf32>
            %mul3A_382 = arith.constant 80 : i32
            %mul3A_383 = arith.muli %squeeze3A_354, %mul3A_382 : i32
            %add3A_384 = arith.constant 16 : i32
            %add3A_385 = arith.addi %mul3A_383, %add3A_384 : i32
            %get3A_386 = arith.index_cast %add3A_385 : i32 to index
            %get3A_387 = tpu.vector_load %arg10[%get3A_386] {strides = array<i32>} : memref<40016xi32, #tpu.memory_space<vmem>>, vector<16xi32>,
            %mul3A_388 = arith.constant 80 : i32
            %mul3A_389 = arith.muli %squeeze3A_354, %mul3A_388 : i32
            %add3A_390 = arith.constant 16 : i32
            %add3A_391 = arith.addi %mul3A_389, %add3A_390 : i32
            %get3A_392 = arith.index_cast %add3A_391 : i32 to index
            %get3A_393 = tpu.vector_load %arg11[%get3A_392] {strides = array<i32>} : memref<40016xf32, #tpu.memory_space<vmem>>, vector<16xf32>,
            %gather3A_394 = tpu.vector_load_idx %arg19[%get3A_387] : memref<528xf32, #tpu.memory_space<vmem>>[vector<16xi32>], vector<16xf32>,
            %mul3A_395 = arith.mulf %get3A_393, %gather3A_394 : vector<16xf32>
            %add3A_396 = arith.addf %add3A_381, %mul3A_395 : vector<16xf32>
            %mul3A_397 = arith.constant 80 : i32
            %mul3A_398 = arith.muli %squeeze3A_354, %mul3A_397 : i32
            %add3A_399 = arith.constant 32 : i32
            %add3A_400 = arith.addi %mul3A_398, %add3A_399 : i32
            %get3A_401 = arith.index_cast %add3A_400 : i32 to index
            %get3A_402 = tpu.vector_load %arg10[%get3A_401] {strides = array<i32>} : memref<40016xi32, #tpu.memory_space<vmem>>, vector<16xi32>,
            %mul3A_403 = arith.constant 80 : i32
            %mul3A_404 = arith.muli %squeeze3A_354, %mul3A_403 : i32
            %add3A_405 = arith.constant 32 : i32
            %add3A_406 = arith.addi %mul3A_404, %add3A_405 : i32
            %get3A_407 = arith.index_cast %add3A_406 : i32 to index
            %get3A_408 = tpu.vector_load %arg11[%get3A_407] {strides = array<i32>} : memref<40016xf32, #tpu.memory_space<vmem>>, vector<16xf32>,
            %gather3A_409 = tpu.vector_load_idx %arg19[%get3A_402] : memref<528xf32, #tpu.memory_space<vmem>>[vector<16xi32>], vector<16xf32>,
            %mul3A_410 = arith.mulf %get3A_408, %gather3A_409 : vector<16xf32>
            %add3A_411 = arith.addf %add3A_396, %mul3A_410 : vector<16xf32>
            %mul3A_412 = arith.constant 80 : i32
            %mul3A_413 = arith.muli %squeeze3A_354, %mul3A_412 : i32
            %add3A_414 = arith.constant 48 : i32
            %add3A_415 = arith.addi %mul3A_413, %add3A_414 : i32
            %get3A_416 = arith.index_cast %add3A_415 : i32 to index
            %get3A_417 = tpu.vector_load %arg10[%get3A_416] {strides = array<i32>} : memref<40016xi32, #tpu.memory_space<vmem>>, vector<16xi32>,
            %mul3A_418 = arith.constant 80 : i32
            %mul3A_419 = arith.muli %squeeze3A_354, %mul3A_418 : i32
            %add3A_420 = arith.constant 48 : i32
            %add3A_421 = arith.addi %mul3A_419, %add3A_420 : i32
            %get3A_422 = arith.index_cast %add3A_421 : i32 to index
            %get3A_423 = tpu.vector_load %arg11[%get3A_422] {strides = array<i32>} : memref<40016xf32, #tpu.memory_space<vmem>>, vector<16xf32>,
            %gather3A_424 = tpu.vector_load_idx %arg19[%get3A_417] : memref<528xf32, #tpu.memory_space<vmem>>[vector<16xi32>], vector<16xf32>,
            %mul3A_425 = arith.mulf %get3A_423, %gather3A_424 : vector<16xf32>
            %add3A_426 = arith.addf %add3A_411, %mul3A_425 : vector<16xf32>
            %mul3A_427 = arith.constant 80 : i32
            %mul3A_428 = arith.muli %squeeze3A_354, %mul3A_427 : i32
            %add3A_429 = arith.constant 64 : i32
            %add3A_430 = arith.addi %mul3A_428, %add3A_429 : i32
            %get3A_431 = arith.index_cast %add3A_430 : i32 to index
            %get3A_432 = tpu.vector_load %arg10[%get3A_431] {strides = array<i32>} : memref<40016xi32, #tpu.memory_space<vmem>>, vector<16xi32>,
            %mul3A_433 = arith.constant 80 : i32
            %mul3A_434 = arith.muli %squeeze3A_354, %mul3A_433 : i32
            %add3A_435 = arith.constant 64 : i32
            %add3A_436 = arith.addi %mul3A_434, %add3A_435 : i32
            %get3A_437 = arith.index_cast %add3A_436 : i32 to index
            %get3A_438 = tpu.vector_load %arg11[%get3A_437] {strides = array<i32>} : memref<40016xf32, #tpu.memory_space<vmem>>, vector<16xf32>,
            %gather3A_439 = tpu.vector_load_idx %arg19[%get3A_432] : memref<528xf32, #tpu.memory_space<vmem>>[vector<16xi32>], vector<16xf32>,
            %mul3A_440 = arith.mulf %get3A_438, %gather3A_439 : vector<16xf32>
            %add3A_441 = arith.addf %add3A_426, %mul3A_440 : vector<16xf32>
            %reduce_sum3A_442 = arith.constant true
            %reduce_sum3A_443 = vector.broadcast %reduce_sum3A_442 : i1 to vector<16xi1>
            %reduce_sum3A_444 = tpu.scan <sum>, %add3A_441 masked %reduce_sum3A_443 : vector<16xf32>, vector<16xi1> -> vector<16xf32>
            %reduce_sum3A_445 = vector.extract %reduce_sum3A_444[15] : f32 from vector<16xf32>
            %mul3A_446 = arith.mulf %reduce_sum3A_366, %reduce_sum3A_445 : f32
            %add3A_447 = arith.addf %while3A_349, %mul3A_446 : f32
            scf.yield %add3A_447 : f32
          }
          %while3A_237 = arith.constant 1 : i32
          %while3A_238 = scf.for %while3A_348 = %while3A_234 to %while3A_230 step %while3A_237 iter_args(%while3A_349 = %while3A_236) -> (f32)  : i32 {
            %add3A_350 = arith.addi %mul3A_98, %while3A_348 : i32
            %get3A_351 = arith.index_cast %add3A_350 : i32 to index
            %get3A_352 = tpu.vector_load %arg12[%get3A_351] {strides = array<i32>} : memref<24016xi32, #tpu.memory_space<vmem>>, vector<16xi32>,
            %slice3A_353 = vector.extract_strided_slice %get3A_352 {offsets = [0], sizes = [1], strides = [1]} : vector<16xi32> to vector<1xi32>
            %squeeze3A_354 = vector.extract %slice3A_353[0] : i32 from vector<1xi32>
            %get3A_355 = arith.index_cast %squeeze3A_354 : i32 to index
            %get3A_356 = tpu.vector_load %arg19[%get3A_355] {strides = array<i32>} : memref<528xf32, #tpu.memory_space<vmem>>, vector<16xf32>,
            %eq3A_357 = arith.constant 0 : i32
            %eq3A_358 = vector.broadcast %eq3A_357 : i32 to vector<16xi32>
            %eq3A_359 = arith.cmpi eq, %iota3A, %eq3A_358 : vector<16xi32>
            %jit3A_360 = arith.constant 0.000000e+00 : f32
            %broadcast_in_dim3A_361 = vector.broadcast %jit3A_360 : f32 to vector<16xf32>
            %select_n3A_362 = arith.select %eq3A_359, %get3A_356, %broadcast_in_dim3A_361 : vector<16xi1>, vector<16xf32>
            %reduce_sum3A_363 = arith.constant true
            %reduce_sum3A_364 = vector.broadcast %reduce_sum3A_363 : i1 to vector<16xi1>
            %reduce_sum3A_365 = tpu.scan <sum>, %select_n3A_362 masked %reduce_sum3A_364 : vector<16xf32>, vector<16xi1> -> vector<16xf32>
            %reduce_sum3A_366 = vector.extract %reduce_sum3A_365[15] : f32 from vector<16xf32>
            %mul3A_367 = arith.constant 80 : i32
            %mul3A_368 = arith.muli %squeeze3A_354, %mul3A_367 : i32
            %add3A_369 = arith.constant 0 : i32
            %add3A_370 = arith.addi %mul3A_368, %add3A_369 : i32
            %get3A_371 = arith.index_cast %add3A_370 : i32 to index
            %get3A_372 = tpu.vector_load %arg10[%get3A_371] {strides = array<i32>} : memref<40016xi32, #tpu.memory_space<vmem>>, vector<16xi32>,
            %mul3A_373 = arith.constant 80 : i32
            %mul3A_374 = arith.muli %squeeze3A_354, %mul3A_373 : i32
            %add3A_375 = arith.constant 0 : i32
            %add3A_376 = arith.addi %mul3A_374, %add3A_375 : i32
            %get3A_377 = arith.index_cast %add3A_376 : i32 to index
            %get3A_378 = tpu.vector_load %arg11[%get3A_377] {strides = array<i32>} : memref<40016xf32, #tpu.memory_space<vmem>>, vector<16xf32>,
            %gather3A_379 = tpu.vector_load_idx %arg19[%get3A_372] : memref<528xf32, #tpu.memory_space<vmem>>[vector<16xi32>], vector<16xf32>,
            %mul3A_380 = arith.mulf %get3A_378, %gather3A_379 : vector<16xf32>
            %add3A_381 = arith.addf %broadcast_in_dim3A_3, %mul3A_380 : vector<16xf32>
            %mul3A_382 = arith.constant 80 : i32
            %mul3A_383 = arith.muli %squeeze3A_354, %mul3A_382 : i32
            %add3A_384 = arith.constant 16 : i32
            %add3A_385 = arith.addi %mul3A_383, %add3A_384 : i32
            %get3A_386 = arith.index_cast %add3A_385 : i32 to index
            %get3A_387 = tpu.vector_load %arg10[%get3A_386] {strides = array<i32>} : memref<40016xi32, #tpu.memory_space<vmem>>, vector<16xi32>,
            %mul3A_388 = arith.constant 80 : i32
            %mul3A_389 = arith.muli %squeeze3A_354, %mul3A_388 : i32
            %add3A_390 = arith.constant 16 : i32
            %add3A_391 = arith.addi %mul3A_389, %add3A_390 : i32
            %get3A_392 = arith.index_cast %add3A_391 : i32 to index
            %get3A_393 = tpu.vector_load %arg11[%get3A_392] {strides = array<i32>} : memref<40016xf32, #tpu.memory_space<vmem>>, vector<16xf32>,
            %gather3A_394 = tpu.vector_load_idx %arg19[%get3A_387] : memref<528xf32, #tpu.memory_space<vmem>>[vector<16xi32>], vector<16xf32>,
            %mul3A_395 = arith.mulf %get3A_393, %gather3A_394 : vector<16xf32>
            %add3A_396 = arith.addf %add3A_381, %mul3A_395 : vector<16xf32>
            %mul3A_397 = arith.constant 80 : i32
            %mul3A_398 = arith.muli %squeeze3A_354, %mul3A_397 : i32
            %add3A_399 = arith.constant 32 : i32
            %add3A_400 = arith.addi %mul3A_398, %add3A_399 : i32
            %get3A_401 = arith.index_cast %add3A_400 : i32 to index
            %get3A_402 = tpu.vector_load %arg10[%get3A_401] {strides = array<i32>} : memref<40016xi32, #tpu.memory_space<vmem>>, vector<16xi32>,
            %mul3A_403 = arith.constant 80 : i32
            %mul3A_404 = arith.muli %squeeze3A_354, %mul3A_403 : i32
            %add3A_405 = arith.constant 32 : i32
            %add3A_406 = arith.addi %mul3A_404, %add3A_405 : i32
            %get3A_407 = arith.index_cast %add3A_406 : i32 to index
            %get3A_408 = tpu.vector_load %arg11[%get3A_407] {strides = array<i32>} : memref<40016xf32, #tpu.memory_space<vmem>>, vector<16xf32>,
            %gather3A_409 = tpu.vector_load_idx %arg19[%get3A_402] : memref<528xf32, #tpu.memory_space<vmem>>[vector<16xi32>], vector<16xf32>,
            %mul3A_410 = arith.mulf %get3A_408, %gather3A_409 : vector<16xf32>
            %add3A_411 = arith.addf %add3A_396, %mul3A_410 : vector<16xf32>
            %mul3A_412 = arith.constant 80 : i32
            %mul3A_413 = arith.muli %squeeze3A_354, %mul3A_412 : i32
            %add3A_414 = arith.constant 48 : i32
            %add3A_415 = arith.addi %mul3A_413, %add3A_414 : i32
            %get3A_416 = arith.index_cast %add3A_415 : i32 to index
            %get3A_417 = tpu.vector_load %arg10[%get3A_416] {strides = array<i32>} : memref<40016xi32, #tpu.memory_space<vmem>>, vector<16xi32>,
            %mul3A_418 = arith.constant 80 : i32
            %mul3A_419 = arith.muli %squeeze3A_354, %mul3A_418 : i32
            %add3A_420 = arith.constant 48 : i32
            %add3A_421 = arith.addi %mul3A_419, %add3A_420 : i32
            %get3A_422 = arith.index_cast %add3A_421 : i32 to index
            %get3A_423 = tpu.vector_load %arg11[%get3A_422] {strides = array<i32>} : memref<40016xf32, #tpu.memory_space<vmem>>, vector<16xf32>,
            %gather3A_424 = tpu.vector_load_idx %arg19[%get3A_417] : memref<528xf32, #tpu.memory_space<vmem>>[vector<16xi32>], vector<16xf32>,
            %mul3A_425 = arith.mulf %get3A_423, %gather3A_424 : vector<16xf32>
            %add3A_426 = arith.addf %add3A_411, %mul3A_425 : vector<16xf32>
            %mul3A_427 = arith.constant 80 : i32
            %mul3A_428 = arith.muli %squeeze3A_354, %mul3A_427 : i32
            %add3A_429 = arith.constant 64 : i32
            %add3A_430 = arith.addi %mul3A_428, %add3A_429 : i32
            %get3A_431 = arith.index_cast %add3A_430 : i32 to index
            %get3A_432 = tpu.vector_load %arg10[%get3A_431] {strides = array<i32>} : memref<40016xi32, #tpu.memory_space<vmem>>, vector<16xi32>,
            %mul3A_433 = arith.constant 80 : i32
            %mul3A_434 = arith.muli %squeeze3A_354, %mul3A_433 : i32
            %add3A_435 = arith.constant 64 : i32
            %add3A_436 = arith.addi %mul3A_434, %add3A_435 : i32
            %get3A_437 = arith.index_cast %add3A_436 : i32 to index
            %get3A_438 = tpu.vector_load %arg11[%get3A_437] {strides = array<i32>} : memref<40016xf32, #tpu.memory_space<vmem>>, vector<16xf32>,
            %gather3A_439 = tpu.vector_load_idx %arg19[%get3A_432] : memref<528xf32, #tpu.memory_space<vmem>>[vector<16xi32>], vector<16xf32>,
            %mul3A_440 = arith.mulf %get3A_438, %gather3A_439 : vector<16xf32>
            %add3A_441 = arith.addf %add3A_426, %mul3A_440 : vector<16xf32>
            %reduce_sum3A_442 = arith.constant true
            %reduce_sum3A_443 = vector.broadcast %reduce_sum3A_442 : i1 to vector<16xi1>
            %reduce_sum3A_444 = tpu.scan <sum>, %add3A_441 masked %reduce_sum3A_443 : vector<16xf32>, vector<16xi1> -> vector<16xf32>
            %reduce_sum3A_445 = vector.extract %reduce_sum3A_444[15] : f32 from vector<16xf32>
            %mul3A_446 = arith.mulf %reduce_sum3A_366, %reduce_sum3A_445 : f32
            %add3A_447 = arith.addf %while3A_349, %mul3A_446 : f32
            scf.yield %add3A_447 : f32
          }
          %mul3A_239 = arith.constant 80 : i32
          %mul3A_240 = arith.muli %squeeze3A, %mul3A_239 : i32
          %add3A_241 = arith.constant 0 : i32
          %add3A_242 = arith.addi %mul3A_240, %add3A_241 : i32
          %get3A_243 = arith.index_cast %add3A_242 : i32 to index
          %get3A_244 = tpu.vector_load %arg10[%get3A_243] {strides = array<i32>} : memref<40016xi32, #tpu.memory_space<vmem>>, vector<16xi32>,
          %mul3A_245 = arith.constant 80 : i32
          %mul3A_246 = arith.muli %squeeze3A, %mul3A_245 : i32
          %add3A_247 = arith.constant 0 : i32
          %add3A_248 = arith.addi %mul3A_246, %add3A_247 : i32
          %get3A_249 = arith.index_cast %add3A_248 : i32 to index
          %get3A_250 = tpu.vector_load %arg11[%get3A_249] {strides = array<i32>} : memref<40016xf32, #tpu.memory_space<vmem>>, vector<16xf32>,
          %gather3A_251 = tpu.vector_load_idx %arg19[%get3A_244] : memref<528xf32, #tpu.memory_space<vmem>>[vector<16xi32>], vector<16xf32>,
          %mul3A_252 = arith.mulf %get3A_250, %gather3A_251 : vector<16xf32>
          %add3A_253 = arith.addf %broadcast_in_dim3A_3, %mul3A_252 : vector<16xf32>
          %mul3A_254 = arith.constant 80 : i32
          %mul3A_255 = arith.muli %squeeze3A, %mul3A_254 : i32
          %add3A_256 = arith.constant 16 : i32
          %add3A_257 = arith.addi %mul3A_255, %add3A_256 : i32
          %get3A_258 = arith.index_cast %add3A_257 : i32 to index
          %get3A_259 = tpu.vector_load %arg10[%get3A_258] {strides = array<i32>} : memref<40016xi32, #tpu.memory_space<vmem>>, vector<16xi32>,
          %mul3A_260 = arith.constant 80 : i32
          %mul3A_261 = arith.muli %squeeze3A, %mul3A_260 : i32
          %add3A_262 = arith.constant 16 : i32
          %add3A_263 = arith.addi %mul3A_261, %add3A_262 : i32
          %get3A_264 = arith.index_cast %add3A_263 : i32 to index
          %get3A_265 = tpu.vector_load %arg11[%get3A_264] {strides = array<i32>} : memref<40016xf32, #tpu.memory_space<vmem>>, vector<16xf32>,
          %gather3A_266 = tpu.vector_load_idx %arg19[%get3A_259] : memref<528xf32, #tpu.memory_space<vmem>>[vector<16xi32>], vector<16xf32>,
          %mul3A_267 = arith.mulf %get3A_265, %gather3A_266 : vector<16xf32>
          %add3A_268 = arith.addf %add3A_253, %mul3A_267 : vector<16xf32>
          %mul3A_269 = arith.constant 80 : i32
          %mul3A_270 = arith.muli %squeeze3A, %mul3A_269 : i32
          %add3A_271 = arith.constant 32 : i32
          %add3A_272 = arith.addi %mul3A_270, %add3A_271 : i32
          %get3A_273 = arith.index_cast %add3A_272 : i32 to index
          %get3A_274 = tpu.vector_load %arg10[%get3A_273] {strides = array<i32>} : memref<40016xi32, #tpu.memory_space<vmem>>, vector<16xi32>,
          %mul3A_275 = arith.constant 80 : i32
          %mul3A_276 = arith.muli %squeeze3A, %mul3A_275 : i32
          %add3A_277 = arith.constant 32 : i32
          %add3A_278 = arith.addi %mul3A_276, %add3A_277 : i32
          %get3A_279 = arith.index_cast %add3A_278 : i32 to index
          %get3A_280 = tpu.vector_load %arg11[%get3A_279] {strides = array<i32>} : memref<40016xf32, #tpu.memory_space<vmem>>, vector<16xf32>,
          %gather3A_281 = tpu.vector_load_idx %arg19[%get3A_274] : memref<528xf32, #tpu.memory_space<vmem>>[vector<16xi32>], vector<16xf32>,
          %mul3A_282 = arith.mulf %get3A_280, %gather3A_281 : vector<16xf32>
          %add3A_283 = arith.addf %add3A_268, %mul3A_282 : vector<16xf32>
          %mul3A_284 = arith.constant 80 : i32
          %mul3A_285 = arith.muli %squeeze3A, %mul3A_284 : i32
          %add3A_286 = arith.constant 48 : i32
          %add3A_287 = arith.addi %mul3A_285, %add3A_286 : i32
          %get3A_288 = arith.index_cast %add3A_287 : i32 to index
          %get3A_289 = tpu.vector_load %arg10[%get3A_288] {strides = array<i32>} : memref<40016xi32, #tpu.memory_space<vmem>>, vector<16xi32>,
          %mul3A_290 = arith.constant 80 : i32
          %mul3A_291 = arith.muli %squeeze3A, %mul3A_290 : i32
          %add3A_292 = arith.constant 48 : i32
          %add3A_293 = arith.addi %mul3A_291, %add3A_292 : i32
          %get3A_294 = arith.index_cast %add3A_293 : i32 to index
          %get3A_295 = tpu.vector_load %arg11[%get3A_294] {strides = array<i32>} : memref<40016xf32, #tpu.memory_space<vmem>>, vector<16xf32>,
          %gather3A_296 = tpu.vector_load_idx %arg19[%get3A_289] : memref<528xf32, #tpu.memory_space<vmem>>[vector<16xi32>], vector<16xf32>,
          %mul3A_297 = arith.mulf %get3A_295, %gather3A_296 : vector<16xf32>
          %add3A_298 = arith.addf %add3A_283, %mul3A_297 : vector<16xf32>
          %mul3A_299 = arith.constant 80 : i32
          %mul3A_300 = arith.muli %squeeze3A, %mul3A_299 : i32
          %add3A_301 = arith.constant 64 : i32
          %add3A_302 = arith.addi %mul3A_300, %add3A_301 : i32
          %get3A_303 = arith.index_cast %add3A_302 : i32 to index
          %get3A_304 = tpu.vector_load %arg10[%get3A_303] {strides = array<i32>} : memref<40016xi32, #tpu.memory_space<vmem>>, vector<16xi32>,
          %mul3A_305 = arith.constant 80 : i32
          %mul3A_306 = arith.muli %squeeze3A, %mul3A_305 : i32
          %add3A_307 = arith.constant 64 : i32
          %add3A_308 = arith.addi %mul3A_306, %add3A_307 : i32
          %get3A_309 = arith.index_cast %add3A_308 : i32 to index
          %get3A_310 = tpu.vector_load %arg11[%get3A_309] {strides = array<i32>} : memref<40016xf32, #tpu.memory_space<vmem>>, vector<16xf32>,
          %gather3A_311 = tpu.vector_load_idx %arg19[%get3A_304] : memref<528xf32, #tpu.memory_space<vmem>>[vector<16xi32>], vector<16xf32>,
          %mul3A_312 = arith.mulf %get3A_310, %gather3A_311 : vector<16xf32>
          %add3A_313 = arith.addf %add3A_298, %mul3A_312 : vector<16xf32>
          %reduce_sum3A_314 = arith.constant true
          %reduce_sum3A_315 = vector.broadcast %reduce_sum3A_314 : i1 to vector<16xi1>
          %reduce_sum3A_316 = tpu.scan <sum>, %add3A_313 masked %reduce_sum3A_315 : vector<16xf32>, vector<16xi1> -> vector<16xf32>
          %reduce_sum3A_317 = vector.extract %reduce_sum3A_316[15] : f32 from vector<16xf32>
          %mul3A_318 = arith.mulf %select_n3A_163, %reduce_sum3A_317 : f32
          %jit3A_319 = arith.constant 0.000000e+00 : f32
          %select_n3A_320 = arith.select %reduce_or3A_131, %jit3A_319, %mul3A_318 : f32
          %add3A_321 = arith.addf %while3A_238, %select_n3A_320 : f32
          %add3A_322 = arith.addf %scan3A_77, %add3A_227 : f32
          %mul3A_323 = arith.constant 5.000000e-01 : f32
          %mul3A_324 = arith.mulf %mul3A_323, %add3A_321 : f32
          %add3A_325 = arith.addf %add3A_322, %mul3A_324 : f32
          %add3A_326 = arith.addf %scan3A_78, %add3A_209 : f32
          %sub3A_327 = arith.subf %reduce_sum3A_22, %add3A_326 : f32
          %add3A_328 = arith.addf %sub3A_327, %add3A_325 : f32
          %le3A = arith.cmpf ole, %add3A_328, %reduce_sum3A_10 : f32
          %gt3A = arith.constant 0 : i32
          %gt3A_329 = arith.cmpi sgt, %squeeze3A_88, %gt3A : i32
          %and3A = arith.andi %le3A, %gt3A_329 : i1
          %eq3A_330 = arith.constant 0 : i32
          %eq3A_331 = arith.cmpi eq, %squeeze3A_84, %eq3A_330 : i32
          %and3A_332 = arith.andi %and3A, %eq3A_331 : i1
          %eq3A_333 = arith.constant 0 : i32
          %eq3A_334 = arith.cmpi eq, %squeeze3A_88, %eq3A_333 : i32
          %or3A_335 = arith.ori %eq3A_334, %and3A_332 : i1
          %jit3A_336 = arith.constant 1 : i32
          %jit3A_337 = arith.constant 0 : i32
          %select_n3A_338 = arith.select %or3A_335, %jit3A_336, %jit3A_337 : i32
          %broadcast_in_dim3A_339 = arith.constant 0 : i32
          %broadcast_in_dim3A_340 = vector.broadcast %broadcast_in_dim3A_339 : i32 to vector<16xi32>
          %add3A_341 = vector.broadcast %select_n3A_338 : i32 to vector<16xi32>
          %add3A_342 = arith.addi %broadcast_in_dim3A_340, %add3A_341 : vector<16xi32>
          tpu.vector_store_idx %arg20[%add3A_135], %add3A_342 masked %eq3A_138 : memref<512xi32, #tpu.memory_space<vmem>>[vector<16xi32>], vector<16xi32>, vector<16xi1>
          %convert_element_type3A_343 = arith.extui %and3A_332 : i1 to i32
          %cond3A_344 = arith.constant 0 : i32
          %cond3A_345 = arith.cmpi ne, %convert_element_type3A_343, %cond3A_344 : i32
          scf.if %cond3A_345 {
            %add3A_348 = arith.constant 1 : i32
            %add3A_349 = vector.broadcast %add3A_348 : i32 to vector<16xi32>
            %add3A_350 = arith.addi %get3A_102, %add3A_349 : vector<16xi32>
            tpu.vector_store_idx %arg23[%get3A_102], %add3A_350 : memref<528xi32, #tpu.memory_space<vmem>>[vector<16xi32>], vector<16xi32>,
            tpu.vector_store_idx %arg14[%get3A_102], %get3A_24 : memref<528xf32, #tpu.memory_space<vmem>>[vector<16xi32>], vector<16xf32>,
            %add3A_351 = arith.constant 1 : i32
            %add3A_352 = vector.broadcast %add3A_351 : i32 to vector<16xi32>
            %add3A_353 = arith.addi %get3A_106, %add3A_352 : vector<16xi32>
            tpu.vector_store_idx %arg23[%get3A_106], %add3A_353 : memref<528xi32, #tpu.memory_space<vmem>>[vector<16xi32>], vector<16xi32>,
            tpu.vector_store_idx %arg14[%get3A_106], %get3A_24 : memref<528xf32, #tpu.memory_space<vmem>>[vector<16xi32>], vector<16xf32>,
            %add3A_354 = arith.constant 1 : i32
            %add3A_355 = vector.broadcast %add3A_354 : i32 to vector<16xi32>
            %add3A_356 = arith.addi %get3A_110, %add3A_355 : vector<16xi32>
            tpu.vector_store_idx %arg23[%get3A_110], %add3A_356 : memref<528xi32, #tpu.memory_space<vmem>>[vector<16xi32>], vector<16xi32>,
            tpu.vector_store_idx %arg14[%get3A_110], %get3A_24 : memref<528xf32, #tpu.memory_space<vmem>>[vector<16xi32>], vector<16xf32>,
            %broadcast_in_dim3A_357 = arith.constant 0 : i32
            %broadcast_in_dim3A_358 = vector.broadcast %broadcast_in_dim3A_357 : i32 to vector<16xi32>
            %jit3A_359 = arith.constant 512 : i32
            %select_n3A_360 = arith.select %reduce_or3A_131, %jit3A_359, %squeeze3A : i32
            %add3A_361 = vector.broadcast %select_n3A_360 : i32 to vector<16xi32>
            %add3A_362 = arith.addi %broadcast_in_dim3A_358, %add3A_361 : vector<16xi32>
            tpu.vector_store_idx %arg14[%add3A_362], %get3A_26 masked %eq3A_138 : memref<528xf32, #tpu.memory_space<vmem>>[vector<16xi32>], vector<16xf32>, vector<16xi1>
            %while3A_363 = arith.constant 0 : i32
            %while3A_364 = arith.constant 0 : i32
            %while3A_365 = arith.subi %squeeze3A_88, %while3A_363 : i32
            %while3A_366 = arith.addi %while3A_363, %while3A_365 : i32
            %while3A_367 = arith.constant 1 : i32
            %while3A_368 = arith.divsi %while3A_365, %while3A_367 : i32
            %while3A_369 = arith.muli %while3A_368, %while3A_367 : i32
            %while3A_370 = arith.addi %while3A_363, %while3A_369 : i32
            %while3A_371 = arith.constant 1 : i32
            %while3A_372 = scf.for %while3A_379 = %while3A_363 to %while3A_370 step %while3A_371 iter_args(%while3A_380 = %while3A_364) -> (i32)  : i32 {
              %add3A_381 = arith.addi %mul3A_98, %while3A_379 : i32
              %get3A_382 = arith.index_cast %add3A_381 : i32 to index
              %get3A_383 = tpu.vector_load %arg12[%get3A_382] {strides = array<i32>} : memref<24016xi32, #tpu.memory_space<vmem>>, vector<16xi32>,
              %slice3A_384 = vector.extract_strided_slice %get3A_383 {offsets = [0], sizes = [1], strides = [1]} : vector<16xi32> to vector<1xi32>
              %squeeze3A_385 = vector.extract %slice3A_384[0] : i32 from vector<1xi32>
              %broadcast_in_dim3A_386 = arith.constant 0 : i32
              %broadcast_in_dim3A_387 = vector.broadcast %broadcast_in_dim3A_386 : i32 to vector<16xi32>
              %add3A_388 = vector.broadcast %squeeze3A_385 : i32 to vector<16xi32>
              %add3A_389 = arith.addi %broadcast_in_dim3A_387, %add3A_388 : vector<16xi32>
              %gather3A_390 = tpu.vector_load_idx %arg19[%add3A_389] : memref<528xf32, #tpu.memory_space<vmem>>[vector<16xi32>], vector<16xf32>,
              %mul3A_391 = arith.constant 80 : i32
              %mul3A_392 = arith.muli %squeeze3A_385, %mul3A_391 : i32
              %add3A_393 = arith.constant 0 : i32
              %add3A_394 = arith.addi %mul3A_392, %add3A_393 : i32
              %get3A_395 = arith.index_cast %add3A_394 : i32 to index
              %get3A_396 = tpu.vector_load %arg10[%get3A_395] {strides = array<i32>} : memref<40016xi32, #tpu.memory_space<vmem>>, vector<16xi32>,
              %mul3A_397 = arith.constant 80 : i32
              %mul3A_398 = arith.muli %squeeze3A_385, %mul3A_397 : i32
              %add3A_399 = arith.constant 0 : i32
              %add3A_400 = arith.addi %mul3A_398, %add3A_399 : i32
              %get3A_401 = arith.index_cast %add3A_400 : i32 to index
              %get3A_402 = tpu.vector_load %arg11[%get3A_401] {strides = array<i32>} : memref<40016xf32, #tpu.memory_space<vmem>>, vector<16xf32>,
              %mul3A_403 = arith.mulf %gather3A_390, %get3A_402 : vector<16xf32>
              tpu.vector_store_idx %arg18[%get3A_396], %mul3A_403 {add = true} : memref<528xf32, #tpu.memory_space<vmem>>[vector<16xi32>], vector<16xf32>,
              %mul3A_404 = arith.constant 80 : i32
              %mul3A_405 = arith.muli %squeeze3A_385, %mul3A_404 : i32
              %add3A_406 = arith.constant 16 : i32
              %add3A_407 = arith.addi %mul3A_405, %add3A_406 : i32
              %get3A_408 = arith.index_cast %add3A_407 : i32 to index
              %get3A_409 = tpu.vector_load %arg10[%get3A_408] {strides = array<i32>} : memref<40016xi32, #tpu.memory_space<vmem>>, vector<16xi32>,
              %mul3A_410 = arith.constant 80 : i32
              %mul3A_411 = arith.muli %squeeze3A_385, %mul3A_410 : i32
              %add3A_412 = arith.constant 16 : i32
              %add3A_413 = arith.addi %mul3A_411, %add3A_412 : i32
              %get3A_414 = arith.index_cast %add3A_413 : i32 to index
              %get3A_415 = tpu.vector_load %arg11[%get3A_414] {strides = array<i32>} : memref<40016xf32, #tpu.memory_space<vmem>>, vector<16xf32>,
              %mul3A_416 = arith.mulf %gather3A_390, %get3A_415 : vector<16xf32>
              tpu.vector_store_idx %arg18[%get3A_409], %mul3A_416 {add = true} : memref<528xf32, #tpu.memory_space<vmem>>[vector<16xi32>], vector<16xf32>,
              %mul3A_417 = arith.constant 80 : i32
              %mul3A_418 = arith.muli %squeeze3A_385, %mul3A_417 : i32
              %add3A_419 = arith.constant 32 : i32
              %add3A_420 = arith.addi %mul3A_418, %add3A_419 : i32
              %get3A_421 = arith.index_cast %add3A_420 : i32 to index
              %get3A_422 = tpu.vector_load %arg10[%get3A_421] {strides = array<i32>} : memref<40016xi32, #tpu.memory_space<vmem>>, vector<16xi32>,
              %mul3A_423 = arith.constant 80 : i32
              %mul3A_424 = arith.muli %squeeze3A_385, %mul3A_423 : i32
              %add3A_425 = arith.constant 32 : i32
              %add3A_426 = arith.addi %mul3A_424, %add3A_425 : i32
              %get3A_427 = arith.index_cast %add3A_426 : i32 to index
              %get3A_428 = tpu.vector_load %arg11[%get3A_427] {strides = array<i32>} : memref<40016xf32, #tpu.memory_space<vmem>>, vector<16xf32>,
              %mul3A_429 = arith.mulf %gather3A_390, %get3A_428 : vector<16xf32>
              tpu.vector_store_idx %arg18[%get3A_422], %mul3A_429 {add = true} : memref<528xf32, #tpu.memory_space<vmem>>[vector<16xi32>], vector<16xf32>,
              %mul3A_430 = arith.constant 80 : i32
              %mul3A_431 = arith.muli %squeeze3A_385, %mul3A_430 : i32
              %add3A_432 = arith.constant 48 : i32
              %add3A_433 = arith.addi %mul3A_431, %add3A_432 : i32
              %get3A_434 = arith.index_cast %add3A_433 : i32 to index
              %get3A_435 = tpu.vector_load %arg10[%get3A_434] {strides = array<i32>} : memref<40016xi32, #tpu.memory_space<vmem>>, vector<16xi32>,
              %mul3A_436 = arith.constant 80 : i32
              %mul3A_437 = arith.muli %squeeze3A_385, %mul3A_436 : i32
              %add3A_438 = arith.constant 48 : i32
              %add3A_439 = arith.addi %mul3A_437, %add3A_438 : i32
              %get3A_440 = arith.index_cast %add3A_439 : i32 to index
              %get3A_441 = tpu.vector_load %arg11[%get3A_440] {strides = array<i32>} : memref<40016xf32, #tpu.memory_space<vmem>>, vector<16xf32>,
              %mul3A_442 = arith.mulf %gather3A_390, %get3A_441 : vector<16xf32>
              tpu.vector_store_idx %arg18[%get3A_435], %mul3A_442 {add = true} : memref<528xf32, #tpu.memory_space<vmem>>[vector<16xi32>], vector<16xf32>,
              %mul3A_443 = arith.constant 80 : i32
              %mul3A_444 = arith.muli %squeeze3A_385, %mul3A_443 : i32
              %add3A_445 = arith.constant 64 : i32
              %add3A_446 = arith.addi %mul3A_444, %add3A_445 : i32
              %get3A_447 = arith.index_cast %add3A_446 : i32 to index
              %get3A_448 = tpu.vector_load %arg10[%get3A_447] {strides = array<i32>} : memref<40016xi32, #tpu.memory_space<vmem>>, vector<16xi32>,
              %mul3A_449 = arith.constant 80 : i32
              %mul3A_450 = arith.muli %squeeze3A_385, %mul3A_449 : i32
              %add3A_451 = arith.constant 64 : i32
              %add3A_452 = arith.addi %mul3A_450, %add3A_451 : i32
              %get3A_453 = arith.index_cast %add3A_452 : i32 to index
              %get3A_454 = tpu.vector_load %arg11[%get3A_453] {strides = array<i32>} : memref<40016xf32, #tpu.memory_space<vmem>>, vector<16xf32>,
              %mul3A_455 = arith.mulf %gather3A_390, %get3A_454 : vector<16xf32>
              tpu.vector_store_idx %arg18[%get3A_448], %mul3A_455 {add = true} : memref<528xf32, #tpu.memory_space<vmem>>[vector<16xi32>], vector<16xf32>,
              %while3A_456 = arith.constant 0 : i32
              scf.yield %while3A_456 : i32
            }
            %while3A_373 = arith.constant 1 : i32
            %while3A_374 = scf.for %while3A_379 = %while3A_370 to %while3A_366 step %while3A_373 iter_args(%while3A_380 = %while3A_372) -> (i32)  : i32 {
              %add3A_381 = arith.addi %mul3A_98, %while3A_379 : i32
              %get3A_382 = arith.index_cast %add3A_381 : i32 to index
              %get3A_383 = tpu.vector_load %arg12[%get3A_382] {strides = array<i32>} : memref<24016xi32, #tpu.memory_space<vmem>>, vector<16xi32>,
              %slice3A_384 = vector.extract_strided_slice %get3A_383 {offsets = [0], sizes = [1], strides = [1]} : vector<16xi32> to vector<1xi32>
              %squeeze3A_385 = vector.extract %slice3A_384[0] : i32 from vector<1xi32>
              %broadcast_in_dim3A_386 = arith.constant 0 : i32
              %broadcast_in_dim3A_387 = vector.broadcast %broadcast_in_dim3A_386 : i32 to vector<16xi32>
              %add3A_388 = vector.broadcast %squeeze3A_385 : i32 to vector<16xi32>
              %add3A_389 = arith.addi %broadcast_in_dim3A_387, %add3A_388 : vector<16xi32>
              %gather3A_390 = tpu.vector_load_idx %arg19[%add3A_389] : memref<528xf32, #tpu.memory_space<vmem>>[vector<16xi32>], vector<16xf32>,
              %mul3A_391 = arith.constant 80 : i32
              %mul3A_392 = arith.muli %squeeze3A_385, %mul3A_391 : i32
              %add3A_393 = arith.constant 0 : i32
              %add3A_394 = arith.addi %mul3A_392, %add3A_393 : i32
              %get3A_395 = arith.index_cast %add3A_394 : i32 to index
              %get3A_396 = tpu.vector_load %arg10[%get3A_395] {strides = array<i32>} : memref<40016xi32, #tpu.memory_space<vmem>>, vector<16xi32>,
              %mul3A_397 = arith.constant 80 : i32
              %mul3A_398 = arith.muli %squeeze3A_385, %mul3A_397 : i32
              %add3A_399 = arith.constant 0 : i32
              %add3A_400 = arith.addi %mul3A_398, %add3A_399 : i32
              %get3A_401 = arith.index_cast %add3A_400 : i32 to index
              %get3A_402 = tpu.vector_load %arg11[%get3A_401] {strides = array<i32>} : memref<40016xf32, #tpu.memory_space<vmem>>, vector<16xf32>,
              %mul3A_403 = arith.mulf %gather3A_390, %get3A_402 : vector<16xf32>
              tpu.vector_store_idx %arg18[%get3A_396], %mul3A_403 {add = true} : memref<528xf32, #tpu.memory_space<vmem>>[vector<16xi32>], vector<16xf32>,
              %mul3A_404 = arith.constant 80 : i32
              %mul3A_405 = arith.muli %squeeze3A_385, %mul3A_404 : i32
              %add3A_406 = arith.constant 16 : i32
              %add3A_407 = arith.addi %mul3A_405, %add3A_406 : i32
              %get3A_408 = arith.index_cast %add3A_407 : i32 to index
              %get3A_409 = tpu.vector_load %arg10[%get3A_408] {strides = array<i32>} : memref<40016xi32, #tpu.memory_space<vmem>>, vector<16xi32>,
              %mul3A_410 = arith.constant 80 : i32
              %mul3A_411 = arith.muli %squeeze3A_385, %mul3A_410 : i32
              %add3A_412 = arith.constant 16 : i32
              %add3A_413 = arith.addi %mul3A_411, %add3A_412 : i32
              %get3A_414 = arith.index_cast %add3A_413 : i32 to index
              %get3A_415 = tpu.vector_load %arg11[%get3A_414] {strides = array<i32>} : memref<40016xf32, #tpu.memory_space<vmem>>, vector<16xf32>,
              %mul3A_416 = arith.mulf %gather3A_390, %get3A_415 : vector<16xf32>
              tpu.vector_store_idx %arg18[%get3A_409], %mul3A_416 {add = true} : memref<528xf32, #tpu.memory_space<vmem>>[vector<16xi32>], vector<16xf32>,
              %mul3A_417 = arith.constant 80 : i32
              %mul3A_418 = arith.muli %squeeze3A_385, %mul3A_417 : i32
              %add3A_419 = arith.constant 32 : i32
              %add3A_420 = arith.addi %mul3A_418, %add3A_419 : i32
              %get3A_421 = arith.index_cast %add3A_420 : i32 to index
              %get3A_422 = tpu.vector_load %arg10[%get3A_421] {strides = array<i32>} : memref<40016xi32, #tpu.memory_space<vmem>>, vector<16xi32>,
              %mul3A_423 = arith.constant 80 : i32
              %mul3A_424 = arith.muli %squeeze3A_385, %mul3A_423 : i32
              %add3A_425 = arith.constant 32 : i32
              %add3A_426 = arith.addi %mul3A_424, %add3A_425 : i32
              %get3A_427 = arith.index_cast %add3A_426 : i32 to index
              %get3A_428 = tpu.vector_load %arg11[%get3A_427] {strides = array<i32>} : memref<40016xf32, #tpu.memory_space<vmem>>, vector<16xf32>,
              %mul3A_429 = arith.mulf %gather3A_390, %get3A_428 : vector<16xf32>
              tpu.vector_store_idx %arg18[%get3A_422], %mul3A_429 {add = true} : memref<528xf32, #tpu.memory_space<vmem>>[vector<16xi32>], vector<16xf32>,
              %mul3A_430 = arith.constant 80 : i32
              %mul3A_431 = arith.muli %squeeze3A_385, %mul3A_430 : i32
              %add3A_432 = arith.constant 48 : i32
              %add3A_433 = arith.addi %mul3A_431, %add3A_432 : i32
              %get3A_434 = arith.index_cast %add3A_433 : i32 to index
              %get3A_435 = tpu.vector_load %arg10[%get3A_434] {strides = array<i32>} : memref<40016xi32, #tpu.memory_space<vmem>>, vector<16xi32>,
              %mul3A_436 = arith.constant 80 : i32
              %mul3A_437 = arith.muli %squeeze3A_385, %mul3A_436 : i32
              %add3A_438 = arith.constant 48 : i32
              %add3A_439 = arith.addi %mul3A_437, %add3A_438 : i32
              %get3A_440 = arith.index_cast %add3A_439 : i32 to index
              %get3A_441 = tpu.vector_load %arg11[%get3A_440] {strides = array<i32>} : memref<40016xf32, #tpu.memory_space<vmem>>, vector<16xf32>,
              %mul3A_442 = arith.mulf %gather3A_390, %get3A_441 : vector<16xf32>
              tpu.vector_store_idx %arg18[%get3A_435], %mul3A_442 {add = true} : memref<528xf32, #tpu.memory_space<vmem>>[vector<16xi32>], vector<16xf32>,
              %mul3A_443 = arith.constant 80 : i32
              %mul3A_444 = arith.muli %squeeze3A_385, %mul3A_443 : i32
              %add3A_445 = arith.constant 64 : i32
              %add3A_446 = arith.addi %mul3A_444, %add3A_445 : i32
              %get3A_447 = arith.index_cast %add3A_446 : i32 to index
              %get3A_448 = tpu.vector_load %arg10[%get3A_447] {strides = array<i32>} : memref<40016xi32, #tpu.memory_space<vmem>>, vector<16xi32>,
              %mul3A_449 = arith.constant 80 : i32
              %mul3A_450 = arith.muli %squeeze3A_385, %mul3A_449 : i32
              %add3A_451 = arith.constant 64 : i32
              %add3A_452 = arith.addi %mul3A_450, %add3A_451 : i32
              %get3A_453 = arith.index_cast %add3A_452 : i32 to index
              %get3A_454 = tpu.vector_load %arg11[%get3A_453] {strides = array<i32>} : memref<40016xf32, #tpu.memory_space<vmem>>, vector<16xf32>,
              %mul3A_455 = arith.mulf %gather3A_390, %get3A_454 : vector<16xf32>
              tpu.vector_store_idx %arg18[%get3A_448], %mul3A_455 {add = true} : memref<528xf32, #tpu.memory_space<vmem>>[vector<16xi32>], vector<16xf32>,
              %while3A_456 = arith.constant 0 : i32
              scf.yield %while3A_456 : i32
            }
            %not3A = arith.constant true
            %not3A_375 = arith.xori %reduce_or3A_131, %not3A : i1
            %convert_element_type3A_376 = arith.extui %not3A_375 : i1 to i32
            %cond3A_377 = arith.constant 0 : i32
            %cond3A_378 = arith.cmpi ne, %convert_element_type3A_376, %cond3A_377 : i32
            scf.if %cond3A_378 {
              %gather3A_379 = tpu.vector_load_idx %arg19[%add3A_135] : memref<528xf32, #tpu.memory_space<vmem>>[vector<16xi32>], vector<16xf32>,
              %mul3A_380 = arith.constant 80 : i32
              %mul3A_381 = arith.muli %squeeze3A, %mul3A_380 : i32
              %add3A_382 = arith.constant 0 : i32
              %add3A_383 = arith.addi %mul3A_381, %add3A_382 : i32
              %get3A_384 = arith.index_cast %add3A_383 : i32 to index
              %get3A_385 = tpu.vector_load %arg10[%get3A_384] {strides = array<i32>} : memref<40016xi32, #tpu.memory_space<vmem>>, vector<16xi32>,
              %mul3A_386 = arith.constant 80 : i32
              %mul3A_387 = arith.muli %squeeze3A, %mul3A_386 : i32
              %add3A_388 = arith.constant 0 : i32
              %add3A_389 = arith.addi %mul3A_387, %add3A_388 : i32
              %get3A_390 = arith.index_cast %add3A_389 : i32 to index
              %get3A_391 = tpu.vector_load %arg11[%get3A_390] {strides = array<i32>} : memref<40016xf32, #tpu.memory_space<vmem>>, vector<16xf32>,
              %mul3A_392 = arith.mulf %gather3A_379, %get3A_391 : vector<16xf32>
              tpu.vector_store_idx %arg18[%get3A_385], %mul3A_392 {add = true} : memref<528xf32, #tpu.memory_space<vmem>>[vector<16xi32>], vector<16xf32>,
              %mul3A_393 = arith.constant 80 : i32
              %mul3A_394 = arith.muli %squeeze3A, %mul3A_393 : i32
              %add3A_395 = arith.constant 16 : i32
              %add3A_396 = arith.addi %mul3A_394, %add3A_395 : i32
              %get3A_397 = arith.index_cast %add3A_396 : i32 to index
              %get3A_398 = tpu.vector_load %arg10[%get3A_397] {strides = array<i32>} : memref<40016xi32, #tpu.memory_space<vmem>>, vector<16xi32>,
              %mul3A_399 = arith.constant 80 : i32
              %mul3A_400 = arith.muli %squeeze3A, %mul3A_399 : i32
              %add3A_401 = arith.constant 16 : i32
              %add3A_402 = arith.addi %mul3A_400, %add3A_401 : i32
              %get3A_403 = arith.index_cast %add3A_402 : i32 to index
              %get3A_404 = tpu.vector_load %arg11[%get3A_403] {strides = array<i32>} : memref<40016xf32, #tpu.memory_space<vmem>>, vector<16xf32>,
              %mul3A_405 = arith.mulf %gather3A_379, %get3A_404 : vector<16xf32>
              tpu.vector_store_idx %arg18[%get3A_398], %mul3A_405 {add = true} : memref<528xf32, #tpu.memory_space<vmem>>[vector<16xi32>], vector<16xf32>,
              %mul3A_406 = arith.constant 80 : i32
              %mul3A_407 = arith.muli %squeeze3A, %mul3A_406 : i32
              %add3A_408 = arith.constant 32 : i32
              %add3A_409 = arith.addi %mul3A_407, %add3A_408 : i32
              %get3A_410 = arith.index_cast %add3A_409 : i32 to index
              %get3A_411 = tpu.vector_load %arg10[%get3A_410] {strides = array<i32>} : memref<40016xi32, #tpu.memory_space<vmem>>, vector<16xi32>,
              %mul3A_412 = arith.constant 80 : i32
              %mul3A_413 = arith.muli %squeeze3A, %mul3A_412 : i32
              %add3A_414 = arith.constant 32 : i32
              %add3A_415 = arith.addi %mul3A_413, %add3A_414 : i32
              %get3A_416 = arith.index_cast %add3A_415 : i32 to index
              %get3A_417 = tpu.vector_load %arg11[%get3A_416] {strides = array<i32>} : memref<40016xf32, #tpu.memory_space<vmem>>, vector<16xf32>,
              %mul3A_418 = arith.mulf %gather3A_379, %get3A_417 : vector<16xf32>
              tpu.vector_store_idx %arg18[%get3A_411], %mul3A_418 {add = true} : memref<528xf32, #tpu.memory_space<vmem>>[vector<16xi32>], vector<16xf32>,
              %mul3A_419 = arith.constant 80 : i32
              %mul3A_420 = arith.muli %squeeze3A, %mul3A_419 : i32
              %add3A_421 = arith.constant 48 : i32
              %add3A_422 = arith.addi %mul3A_420, %add3A_421 : i32
              %get3A_423 = arith.index_cast %add3A_422 : i32 to index
              %get3A_424 = tpu.vector_load %arg10[%get3A_423] {strides = array<i32>} : memref<40016xi32, #tpu.memory_space<vmem>>, vector<16xi32>,
              %mul3A_425 = arith.constant 80 : i32
              %mul3A_426 = arith.muli %squeeze3A, %mul3A_425 : i32
              %add3A_427 = arith.constant 48 : i32
              %add3A_428 = arith.addi %mul3A_426, %add3A_427 : i32
              %get3A_429 = arith.index_cast %add3A_428 : i32 to index
              %get3A_430 = tpu.vector_load %arg11[%get3A_429] {strides = array<i32>} : memref<40016xf32, #tpu.memory_space<vmem>>, vector<16xf32>,
              %mul3A_431 = arith.mulf %gather3A_379, %get3A_430 : vector<16xf32>
              tpu.vector_store_idx %arg18[%get3A_424], %mul3A_431 {add = true} : memref<528xf32, #tpu.memory_space<vmem>>[vector<16xi32>], vector<16xf32>,
              %mul3A_432 = arith.constant 80 : i32
              %mul3A_433 = arith.muli %squeeze3A, %mul3A_432 : i32
              %add3A_434 = arith.constant 64 : i32
              %add3A_435 = arith.addi %mul3A_433, %add3A_434 : i32
              %get3A_436 = arith.index_cast %add3A_435 : i32 to index
              %get3A_437 = tpu.vector_load %arg10[%get3A_436] {strides = array<i32>} : memref<40016xi32, #tpu.memory_space<vmem>>, vector<16xi32>,
              %mul3A_438 = arith.constant 80 : i32
              %mul3A_439 = arith.muli %squeeze3A, %mul3A_438 : i32
              %add3A_440 = arith.constant 64 : i32
              %add3A_441 = arith.addi %mul3A_439, %add3A_440 : i32
              %get3A_442 = arith.index_cast %add3A_441 : i32 to index
              %get3A_443 = tpu.vector_load %arg11[%get3A_442] {strides = array<i32>} : memref<40016xf32, #tpu.memory_space<vmem>>, vector<16xf32>,
              %mul3A_444 = arith.mulf %gather3A_379, %get3A_443 : vector<16xf32>
              tpu.vector_store_idx %arg18[%get3A_437], %mul3A_444 {add = true} : memref<528xf32, #tpu.memory_space<vmem>>[vector<16xi32>], vector<16xf32>,
            } else {
            }
          } else {
          }
          tpu.vector_store_idx %arg19[%get3A_102], %get3A_24 : memref<528xf32, #tpu.memory_space<vmem>>[vector<16xi32>], vector<16xf32>,
          tpu.vector_store_idx %arg19[%get3A_106], %get3A_24 : memref<528xf32, #tpu.memory_space<vmem>>[vector<16xi32>], vector<16xf32>,
          tpu.vector_store_idx %arg19[%get3A_110], %get3A_24 : memref<528xf32, #tpu.memory_space<vmem>>[vector<16xi32>], vector<16xf32>,
          tpu.vector_store_idx %arg19[%add3A_135], %get3A_24 masked %eq3A_138 : memref<528xf32, #tpu.memory_space<vmem>>[vector<16xi32>], vector<16xf32>, vector<16xi1>
          %select_n3A_346 = arith.select %and3A_332, %add3A_325, %scan3A_77 : f32
          %select_n3A_347 = arith.select %and3A_332, %add3A_326, %scan3A_78 : f32
          scf.yield %select_n3A_346, %select_n3A_347 : f32, f32
        } else {
          scf.yield %scan3A_77, %scan3A_78 : f32, f32
        }
        scf.yield %cond3A_96#0, %cond3A_96#1 : f32, f32
      }
      %scan3A_68 = arith.constant 500 : i32
      %scan3A_69 = arith.constant 0 : i32
      %scan3A_70 = arith.constant 0 : i32
      %scan3A_71 = arith.constant 32 : i32
      %scan3A_72 = arith.addi %scan3A_70, %scan3A_71 : i32
      %scan3A_73 = arith.constant 1 : i32
      %scan3A_74 = scf.for %scan3A_76 = %scan3A_70 to %scan3A_72 step %scan3A_73 iter_args(%scan3A_77 = %scan3A_69) -> (i32)  : i32 {
        %mul3A_78 = arith.constant 16 : i32
        %mul3A_79 = arith.muli %scan3A_76, %mul3A_78 : i32
        %get3A_80 = arith.index_cast %mul3A_79 : i32 to index
        %get3A_81 = tpu.vector_load %arg20[%get3A_80] {strides = array<i32>} : memref<512xi32, #tpu.memory_space<vmem>>, vector<16xi32>,
        %ne3A = arith.constant 0 : i32
        %ne3A_82 = vector.broadcast %ne3A : i32 to vector<16xi32>
        %ne3A_83 = arith.cmpi ne, %get3A_81, %ne3A_82 : vector<16xi32>
        %mul3A_84 = arith.constant 16 : i32
        %mul3A_85 = arith.muli %scan3A_76, %mul3A_84 : i32
        %add3A_86 = vector.broadcast %mul3A_85 : i32 to vector<16xi32>
        %add3A_87 = arith.addi %add3A_86, %iota3A : vector<16xi32>
        %jit3A_88 = arith.constant 1 : i32
        %jit3A_89 = arith.constant 0 : i32
        %broadcast_in_dim3A_90 = vector.broadcast %jit3A_88 : i32 to vector<16xi32>
        %broadcast_in_dim3A_91 = vector.broadcast %jit3A_89 : i32 to vector<16xi32>
        %select_n3A_92 = arith.select %ne3A_83, %broadcast_in_dim3A_90, %broadcast_in_dim3A_91 : vector<16xi1>, vector<16xi32>
        %broadcast_in_dim3A_93 = arith.constant true
        %broadcast_in_dim3A_94 = vector.broadcast %broadcast_in_dim3A_93 : i1 to vector<16xi1>
        %masked_cumsum3A = tpu.scan <sum>, %select_n3A_92 masked %broadcast_in_dim3A_94 : vector<16xi32>, vector<16xi1> -> vector<16xi32>
        %add3A_95 = vector.broadcast %scan3A_77 : i32 to vector<16xi32>
        %add3A_96 = arith.addi %add3A_95, %masked_cumsum3A : vector<16xi32>
        %sub3A = arith.constant 1 : i32
        %sub3A_97 = vector.broadcast %sub3A : i32 to vector<16xi32>
        %sub3A_98 = arith.subi %add3A_96, %sub3A_97 : vector<16xi32>
        tpu.vector_store_idx %arg21[%sub3A_98], %add3A_87 masked %ne3A_83 : memref<512xi32, #tpu.memory_space<vmem>>[vector<16xi32>], vector<16xi32>, vector<16xi1>
        %all_reduce_population_count3A = tpu.all_reduce %ne3A_83 {dim = 0 : i64, kind = #tpu.reduction_kind<sum>} : vector<16xi1> -> vector<16xi32>
        %reduce_max3A = arith.constant true
        %reduce_max3A_99 = vector.broadcast %reduce_max3A : i1 to vector<16xi1>
        %reduce_max3A_100 = arith.constant -2147483648 : i32
        %reduce_max3A_101 = vector.broadcast %reduce_max3A_100 : i32 to vector<16xi32>
        %reduce_max3A_102 = arith.xori %all_reduce_population_count3A, %reduce_max3A_101 : vector<16xi32>
        %reduce_max3A_103 = tpu.scan <max>, %reduce_max3A_102 masked %reduce_max3A_99 : vector<16xi32>, vector<16xi1> -> vector<16xi32>
        %reduce_max3A_104 = arith.xori %reduce_max3A_103, %reduce_max3A_101 : vector<16xi32>
        %reduce_max3A_105 = vector.extract %reduce_max3A_104[15] : i32 from vector<16xi32>
        %add3A_106 = arith.addi %scan3A_77, %reduce_max3A_105 : i32
        scf.yield %add3A_106 : i32
      }
      %scan3A_75 = arith.constant 32 : i32
      "tpu.region"() ({
        %run_scoped3A = tpu.sem_alloc : memref<!tpu.dma_semaphore, #tpu.memory_space<semaphore_mem>>
        %dma_start3A = arith.constant 0 : i32
        %dma_start3A_76 = tpu.memref_slice %arg9[%add3A, %dma_start3A] : memref<20x512xi32, #tpu.memory_space<hbm>> -> memref<1x512xi32, #tpu.memory_space<hbm>>
        %dma_start3A_77 = tpu.memref_squeeze %dma_start3A_76 : memref<1x512xi32, #tpu.memory_space<hbm>> -> memref<512xi32, #tpu.memory_space<hbm>>
        %dma_start3A_78 = arith.constant 0 : i32
        %dma_start3A_79 = tpu.memref_slice %arg9[%add3A, %dma_start3A_78] : memref<20x512xi32, #tpu.memory_space<hbm>> -> memref<1x512xi32, #tpu.memory_space<hbm>>
        %dma_start3A_80 = tpu.memref_squeeze %dma_start3A_79 : memref<1x512xi32, #tpu.memory_space<hbm>> -> memref<512xi32, #tpu.memory_space<hbm>>
        tpu.enqueue_dma source(%arg21 : memref<512xi32, #tpu.memory_space<vmem>>) target(%dma_start3A_80 : memref<512xi32, #tpu.memory_space<hbm>>) target_semaphore(%run_scoped3A : memref<!tpu.dma_semaphore, #tpu.memory_space<semaphore_mem>>)
        %dma_wait3A = arith.constant 0 : i32
        %dma_wait3A_81 = tpu.memref_slice %arg9[%add3A, %dma_wait3A] : memref<20x512xi32, #tpu.memory_space<hbm>> -> memref<1x512xi32, #tpu.memory_space<hbm>>
        %dma_wait3A_82 = tpu.memref_squeeze %dma_wait3A_81 : memref<1x512xi32, #tpu.memory_space<hbm>> -> memref<512xi32, #tpu.memory_space<hbm>>
        %dma_wait3A_83 = arith.constant 0 : i32
        %dma_wait3A_84 = tpu.memref_slice %arg9[%add3A, %dma_wait3A_83] : memref<20x512xi32, #tpu.memory_space<hbm>> -> memref<1x512xi32, #tpu.memory_space<hbm>>
        %dma_wait3A_85 = tpu.memref_squeeze %dma_wait3A_84 : memref<1x512xi32, #tpu.memory_space<hbm>> -> memref<512xi32, #tpu.memory_space<hbm>>
        tpu.wait_dma2 semaphore(%run_scoped3A : memref<!tpu.dma_semaphore, #tpu.memory_space<semaphore_mem>>) src(%arg21 : memref<512xi32, #tpu.memory_space<vmem>>) dst(%dma_wait3A_85 : memref<512xi32, #tpu.memory_space<hbm>>)
        tpu.yield
      }) : () -> ()
    } else {
    }
    return
  }
}

</mosaic_0001>

<sc_bundles>
// kernel: _decode_sc.3.cloned.1.call-start
scs
__scs_entry_jumppad:
0x0: {  	(pc) =	sbr.rel $0x88, $3  }
0x1: {  	(tag) =	ssettag $0x0;
	lr =	simm.s32 $0x1  }
0x2: {  	[smem:$0x3F9A] =	sst lr;
	_ =	strace $0xD0000000  }
0x3: {  	_ = 	snop  }
0x4: {  	_ = 	snop  }
0x5: {  	_ = 	snop  }
0x6: {  	_ = 	snop  }
0x7: {  	_ = 	snop  }
__scs_overlays_trampoline_lowered:
0x8: {  	[smem:$0x3FA9] =	sst s0  }
0x9: {  	[smem:$0x3FAA] =	sst s1  }
0xa: {  	[smem:$0x3FAB] =	sst s2  }
0xb: {  	[smem:$0x3FAC] =	sst s3  }
0xc: {  	[smem:$0x3FAD] =	sst s4  }
0xd: {  	[smem:$0x3FAE] =	sst s5  }
0xe: {  	[smem:$0x3FAF] =	sst s6  }
0xf: {  	[smem:$0x3FB0] =	sst s7  }
0x10: {  	[smem:$0x3FB1] =	sst s8  }
0x11: {  	[smem:$0x3FB2] =	sst s9;
	s0 =	simm.s32 @!p0 $0x0  }
0x12: {  	s1 =	sld [smem:$0x3F98];
	s0 =	simm.s32 @p0 $0x1  }
0x13: {  	[smem:$0x3FB3] =	sst s0;
	s0 =	simm.s32 @!p1 $0x0  }
0x14: {  	s2 =	sld [smem:$0x3F97];
	s0 =	simm.s32 @p1 $0x1  }
0x15: {  	[smem:$0x3FB4] =	sst s0;
	s0 =	simm.s32 @!p2 $0x0  }
0x16: {  	s3 =	sld [smem:$0x3FDB];
	s0 =	simm.s32 @p2 $0x1  }
0x17: {  	s4 =	simm.s32 $0x1BF5;
	[smem:$0x3FB6] =	sst s0  }
0x18: {  	s0 =	sld [smem:$0x3F99];
	_ =	swait.ge [sflag:s4], $0x0  }
0x19: {  	s7 =	sld [smem:$0x3F9A]  }
0x1a: {  	s8 =	sadd.s32 $0xFFFFE003, lr  }
0x1b: {  	s9 =	sadd.s32 $0xFFFFFEF7, lr;
	s5 =	simm.s32 $0xFFFFFFFF;
	p2 =	slt.u32 s8, $0xFFFFF086  }
0x1c: {  	p1 =	slt.u32 s9, $0xF7A;
	s5 =	simm.s32 @!p2 $0x0  }
0x1d: {  	s5 =	simm.s32 @p1 $0x1;
	p0 =	seq.s32 s7, s2  }
0x1e: {  	s7 =	smul.u32 @!p0 $0xF7A, s2;
	p2 =	seq.s32 @!p0 s5, $0x0  }
0x1f: {  	s9 =	smul.u32 $0xF7A, s1;
	s8 =	simm.s32 @!p0 $0x1BF5;
	p2 =	por !p2, p0  }
0x20: {  	[sflag:s8] =	ssyncset.s32 @!p0 $0xFFFFF086;
	s6 =	sadd.s32 @!p0 s3, s7;
	s7 =	simm.s32 @!p0 $0x108  }
0x21: {  	s3 =	sadd.s32 s3, s9;
	s6 =	sadd.s32 @!p0 $0x88, s6;
	s7 =	simm.s32 @p2 $0x1082  }
0x22: {  	[simem:s7], [sflag:s8] =	dma.local @!p0 [hbm:s6], $0xF7A  }
0x23: {  	s9 =	sor.u32 $0xD0000000, s2;
	s6 =	simm.s32 $0x108;
	_ =	swait.ge @!p0 [sflag:s8], $0x0  }
0x24: {  	s3 =	sadd.s32 $0x88, s3;
	s6 =	simm.s32 @!p1 $0x1082;
	[sflag:s4] =	ssyncset.s32 $0xFFFFF086  }
0x25: {  	[simem:s6], [sflag:s4] =	dma.local [hbm:s3], $0xF7A  }
0x26: {  	[smem:$0x3F9A] =	sst s1;
	(tag) =	ssettag s2;
	_ =	strace s9  }
0x27: {  	s1 =	sld [smem:$0x3FAA]  }
0x28: {  	s2 =	sld [smem:$0x3FAB]  }
0x29: {  	s4 =	sld [smem:$0x3FAD]  }
0x2a: {  	p0 =	seq.s32 s5, $0x0;
	s5 =	sld [smem:$0x3FAE]  }
0x2b: {  	s6 =	sld [smem:$0x3FAF]  }
0x2c: {  	s7 =	sld [smem:$0x3FB0]  }
0x2d: {  	s3 =	simm.s32 $0x108;
	s8 =	sld [smem:$0x3FB1]  }
0x2e: {  	s3 =	simm.s32 @!p0 $0x1082;
	s9 =	sld [smem:$0x3FB2]  }
0x2f: {  	lr =	sadd.s32 s0, s3;
	s0 =	sld [smem:$0x3FA9]  }
0x30: {  	s3 =	sld [smem:$0x3FAC]  }
0x31: {  	[smem:$0x3FB5] =	sst s10  }
0x32: {  	s10 =	sld [smem:$0x3FB3];
	_ =	sdelay $0x3  }
0x33: {  	p0 =	seq.s32 s10, $0x1;
	s10 =	sld [smem:$0x3FB5];
	_ =	sdelay $0x3  }
0x34: {  	[smem:$0x3FB5] =	sst s10  }
0x35: {  	s10 =	sld [smem:$0x3FB4];
	_ =	sdelay $0x3  }
0x36: {  	p1 =	seq.s32 s10, $0x1;
	s10 =	sld [smem:$0x3FB5];
	_ =	sdelay $0x3  }
0x37: {  	[smem:$0x3FB5] =	sst s10  }
0x38: {  	s10 =	sld [smem:$0x3FB6]  }
0x39: {  	_ = 	snop;
	(pc) =	sbr.ind lr, $3  }
0x3a: {  	_ = 	snop  }
0x3b: {  	_ = 	snop  }
0x3c: {  	p2 =	seq.s32 s10, $0x1;
	s10 =	sld [smem:$0x3FB5]  }
0x3d: {  	_ =	shalt  }
0x3e: {  	_ =	shalt  }
0x3f: {  	_ =	shalt  }
0x40: {  	_ =	shalt  }
0x41: {  	_ =	shalt  }
0x42: {  	_ =	shalt  }
0x43: {  	_ =	shalt  }
0x44: {  	_ =	shalt  }
0x45: {  	_ =	shalt  }
0x46: {  	_ =	shalt  }
0x47: {  	_ =	shalt  }
0x48: {  	_ =	shalt  }
0x49: {  	_ =	shalt  }
0x4a: {  	_ =	shalt  }
0x4b: {  	_ =	shalt  }
0x4c: {  	_ =	shalt  }
0x4d: {  	_ =	shalt  }
0x4e: {  	_ =	shalt  }
0x4f: {  	_ =	shalt  }
0x50: {  	_ =	shalt  }
0x51: {  	_ =	shalt  }
0x52: {  	_ =	shalt  }
0x53: {  	_ =	shalt  }
0x54: {  	_ =	shalt  }
0x55: {  	_ =	shalt  }
0x56: {  	_ =	shalt  }
0x57: {  	_ =	shalt  }
0x58: {  	_ =	shalt  }
0x59: {  	_ =	shalt  }
0x5a: {  	_ =	shalt  }
0x5b: {  	_ =	shalt  }
0x5c: {  	_ =	shalt  }
0x5d: {  	_ =	shalt  }
0x5e: {  	_ =	shalt  }
0x5f: {  	_ =	shalt  }
0x60: {  	_ =	shalt  }
0x61: {  	_ =	shalt  }
0x62: {  	_ =	shalt  }
0x63: {  	_ =	shalt  }
0x64: {  	_ =	shalt  }
0x65: {  	_ =	shalt  }
0x66: {  	_ =	shalt  }
0x67: {  	_ =	shalt  }
0x68: {  	_ =	shalt  }
0x69: {  	_ =	shalt  }
0x6a: {  	_ =	shalt  }
0x6b: {  	_ =	shalt  }
0x6c: {  	_ =	shalt  }
0x6d: {  	_ =	shalt  }
0x6e: {  	_ =	shalt  }
0x6f: {  	_ =	shalt  }
0x70: {  	_ =	shalt  }
0x71: {  	_ =	shalt  }
0x72: {  	_ =	shalt  }
0x73: {  	_ =	shalt  }
0x74: {  	_ =	shalt  }
0x75: {  	_ =	shalt  }
0x76: {  	_ =	shalt  }
0x77: {  	_ =	shalt  }
0x78: {  	_ =	shalt  }
0x79: {  	_ =	shalt  }
0x7a: {  	_ =	shalt  }
0x7b: {  	_ =	shalt  }
0x7c: {  	_ =	shalt  }
0x7d: {  	_ =	shalt  }
0x7e: {  	_ =	shalt  }
0x7f: {  	_ =	shalt  }
0x80: {  	_ =	shalt  }
0x81: {  	_ =	shalt  }
0x82: {  	_ =	shalt  }
0x83: {  	_ =	shalt  }
0x84: {  	_ =	shalt  }
0x85: {  	_ =	shalt  }
0x86: {  	_ =	shalt  }
0x87: {  	_ =	shalt  }
.Lfunc_end0:
.L_simem_size_0:
called_computation_lowered:
.L_overlay_start_0:
0x88: {  	s2 =	sld [smem:$0x3FD9]  }
0x89: {  	s3 =	sld [smem:$0x3FFE];
	_ =	sdelay $0x1  }
0x8a: {  	s1 =	srdreg.scid  }
0x8b: {  	s0 =	sand.u32 $0x1, s1  }
0x8c: {  	s17 =	sshll.u32 s0, $0xA;
	s2 =	sadd.s32 s3, s2  }
0x8d: {  	s2 =	sadd.s32 s2, s17  }
0x8e: {  	[smem:$0x3FC1] =	sst s2  }
0x8f: {  	_ = 	snop  }
0x90: {  	s2 =	sld [smem:$0x3FD0];
	(tm) =	ssettm $0x1  }
0x91: {  	s18 =	sld [smem:$0x3FFB];
	_ =	sdelay $0x3  }
0x92: {  	_ =	strace s18  }
0x93: {  	s3 =	sld [smem:$0x3FFC];
	_ =	sdelay $0x3  }
0x94: {  	_ =	strace s3  }
0x95: {  	s3 =	sld [smem:$0x3FFD];
	_ =	sdelay $0x3  }
0x96: {  	_ =	strace s3  }
0x97: {  	_ =	strace $0x8FFFFFFF  }
0x98: {  	s19 =	sld [smem:$0x3FDB];
	_ =	sdelay $0x1  }
0x99: {  	s4 =	simm.s32 $_scs_section_size  }
0x9a: {  	s5 =	simm.s32 $_size__tile_overlayer_lowered;
	s6 =	simm.s32 $_tile_overlayer_lowered  }
0x9b: {  	s22 =	simm.s32 $0x1BFF;
	s21 =	sshll.u32 s6, $0x1;
	s3 =	sadd.s32 s4, s19  }
0x9c: {  	s7 =	simm.s32 $0x0;
	s20 =	sshll.u32 s5, $0x1;
	s5 =	sadd.s32 s21, s3  }
0x9d: {  	[timem:s7], [sflag:s22] =	dma.local [hbm:s5], s20  }
0x9e: {  	_ =	swait.ge [sflag:s22], s20  }
0x9f: {  	s4 =	ssub.s32 $0x0, s20;
	[sflag:s22] =	ssyncset.done $0x0  }
0xa0: {  	[sflag:s22] =	ssyncadd.s32 s4;
	_ =	sdelay $0x1  }
0xa1: {  	s23 =	simm.s32 $0x1B8B  }
0xa2: {  	_ =	swait.ge [sflag:s23], $0x1  }
0xa3: {  	[sflag:s23] =	ssyncset.done $0x0  }
0xa4: {  	s25 =	simm.s32 $0x1B8E;
	s24 =	sld [smem:$0x3FFE];
	[sflag:s23] =	ssyncadd.s32 $0xFFFFFFFF  }
0xa5: {  	s26 =	simm.s32 $execute0_lowered;
	[smem:$0x3FD2] =	sst s25  }
0xa6: {  	s5 =	sshll.u32 s26, $0x1;
	_ =	strace $0x80000046;
	[dreg:$0x1] =	wrdreg $0xFFFFFFFF  }
0xa7: {  	s28 =	simm.s32 $_size_execute0_lowered;
	s3 =	sadd.s32 s3, s5;
	[dreg:$0x0] =	wrdreg $0x0  }
0xa8: {  	s5 =	sshll.u32 s28, $0x1;
	[dreg:$0x2] =	wrdreg s3  }
0xa9: {  	[dreg:$0x3] =	wrdreg s5  }
0xaa: {  	[dreg:$0x4] =	wrdreg $0xC0  }
0xab: {  	_ =	task [dreg:s7], $0x5FFFF  }
0xac: {  	[dreg:$0x1] =	wrdreg $0xFFFFFFFF  }
0xad: {  	[dreg:$0x0] =	wrdreg $0x60  }
0xae: {  	[dreg:$0x2] =	wrdreg s24  }
0xaf: {  	[dreg:$0x3] =	wrdreg s2  }
0xb0: {  	[dreg:$0x4] =	wrdreg $0x9  }
0xb1: {  	_ =	task.clear_ibuf [dreg:s7], $0x5FFFF;
	_ =	strace $0x90000046  }
0xb2: {  	s29 =	simm.s32 $0x9;
	_ =	strace $0x80000048  }
0xb3: {  	_ =	swait.ge [sflag:s29], $0x1  }
0xb4: {  	[sflag:s29] =	ssyncadd.s32 $0xFFFFFFFF  }
0xb5: {  	_ =	strace $0x90000048  }
0xb6: {  	_ =	sfence  }
0xb7: {  	s30 =	sld [smem:$0x0];
	_ =	sdelay $0x2  }
0xb8: {  	s31 =	sshll.u32 s1, $0xD;
	s1 =	sshrl.u32 s1, $0x2  }
0xb9: {  	s3 =	sand.u32 $0x4000, s31;
	s1 =	sadd.s32 s1, s30  }
0xba: {  	s0 =	sor.u32 s3, s0;
	s1 =	sshll.u32 s1, $0x11  }
0xbb: {  	s0 =	sor.u32 s1, s0  }
0xbc: {  	s0 =	sadd.s32 $0x8F2B, s0  }
0xbd: {  	[sflag:s0] =	ssyncadd.remote.s32 $0x1  }
0xbe: {  	_ =	sfence.sel $0xFFFF  }
0xbf: {  	[dreg:$0x0] =	wrdreg $0xFFFFFFFF;
	(pc) =	sbr.abs _section_cstart, $3  }
0xc0: {  	[dreg:$0x1] =	wrdreg $0xFFFFFFFF  }
0xc1: {  	_ =	task.clear_ibuf [dreg:s7], $0x2FFFF;
	_ =	strace $0x9FFFFFFF  }
0xc2: {  	(tm) =	ssettm $0x7FFFFFFF  }
0xc3: {  	_ =	shalt  }
tec
execute0_lowered:
.L_overlay_start_1:
0x0: {  	(tag) =	ssettag $0x1  }
0x1: {  	s2 =	stileid.u32  }
0x2: {  	p0 =	sgt.u32 s2, $0x9  }
.Ltmp0:
0x3: {  	_ = 	snop;
	(pc) =	sbr.rel @p0 .LBB2_36-.Ltmp0, $4  }
0x4: {  	_ = 	snop  }
0x5: {  	s1 =	rddreg [dreg:$0x0];
	s3 =	simm.s32 $0x0  }
0x6: {  	[smem:$0x7FF] =	sst s3  }
0x7: {  	s0 =	rddreg [dreg:$0x1];
	_ =	strace $0x80000047  }
0x8: {  	s2 =	srdreg.scid;
	s3 =	stileid.u32  }
0x9: {  	s6 =	sadd.s32 $0x19800, s1;
	s2 =	sand.u32 $0x1, s2;
	s3 =	sshll.u32 s3, $0x1  }
0xa: {  	s12 =	simm.s32 $0x1;
	s16 =	simm.s32 $0x19A90;
	s3 =	sor.u32 s2, s3  }
0xb: {  	s18 =	simm.s32 $0x19EE0;
	s19 =	simm.s32 $0x1A700;
	s4 =	smul.u32 $0x1388, s3  }
0xc: {  	s5 =	smul.u32 $0xBB8, s3;
	s8 =	sshll.u32 s3, $0x3;
	s3 =	sshll.u32 s3, $0x6  }
0xd: {  	s20 =	simm.s32 $0x19880;
	s24 =	sadd.s32 s3, s1;
	s0 =	sadd.s32 s0, s3  }
0xe: {  	s21 =	simm.s32 $0x1A0F0;
	[dreg:$0x5] =	wrdreg s0;
	s25 =	sadd.s32 $0x41200, s24  }
0xf: {  	s8 =	sadd.s32 s8, s1;
	s28 =	sadd.s32 $0x40C00, s24;
	[dreg:$0x6] =	wrdreg s25  }
0x10: {  	s7 =	sadd.s32 s4, s1;
	s29 =	sadd.s32 $0x41800, s8;
	[dreg:$0x7] =	wrdreg s28  }
0x11: {  	s5 =	sadd.s32 s5, s1;
	s1 =	sadd.s32 $0x41A00, s24;
	[dreg:$0x8] =	wrdreg s29  }
0x12: {  	s26 =	ssub.s32 $0x2, s2;
	s31 =	sadd.s32 s6, s4;
	[dreg:$0x9] =	wrdreg s1  }
0x13: {  	v0 =	vlaneseq.u32;
	s30 =	sshrl.u32 s26, $0x1;
	s7 =	sadd.s32 $0x1000, s7;
	[dreg:$0xa] =	wrdreg s31  }
0x14: {  	v1 =	vmul.u32 $0xFFFFFFFF, v0;
	s0 =	ssub.s32 s26, s30;
	s5 =	sadd.s32 $0x32000, s5;
	[dreg:$0x3] =	wrdreg s7  }
0x15: {  	v2 =	vimm.f32 $0.0e+00;
	v3 =	vimm.s32 $0x0;
	v4 =	vimm.s32 $0xFFFFFFFF;
	s23 =	simm.s32 $0x1A910;
	s0 =	smax.u32 s0, $0x1;
	[dreg:$0x4] =	wrdreg s5  }
0x16: {  	vm0 =	vmmov $0x1;
	vm1 =	vcmask $0x308;
	v1 =	vadd.s32 $0x1F4, v1;
	s24 =	simm.s32 $0x1A500;
	s25 =	simm.s32 $0x0;
	[dreg:$0xb] =	wrdreg s0  }
.LBB2_2:
0x17: {  	s0 =	simm.s32 $0x0;
	s1 =	rddreg [dreg:$0xa]  }
0x18: {  	[tilespmem:s0], [sflag:$0x1] =	stream.linear.gather [hbm4b:s1+s0], $0x9C40, $0x38;
	[tilespmem:$0x1AB20] =	vst v63  }
0x19: {  	_ =	swait.ge [sflag:s12], $0x9C40  }
0x1a: {  	[sflag:s12] =	ssyncset.done $0x0  }
0x1b: {  	s2 =	simm.s32 $0x9C50;
	s13 =	rddreg [dreg:$0x3];
	[sflag:s12] =	ssyncadd.s32 $0xFFFF63C0  }
0x1c: {  	[tilespmem:s2], [sflag:$0x1] =	stream.linear.gather [hbm4b:s13+s0], $0x9C40, $0x38;
	[tilespmem:$0x1AB20] =	vst v63  }
0x1d: {  	_ =	swait.ge [sflag:s12], $0x9C40  }
0x1e: {  	[sflag:s12] =	ssyncset.done $0x0  }
0x1f: {  	s15 =	simm.s32 $0x138A0;
	s14 =	rddreg [dreg:$0x4];
	[sflag:s12] =	ssyncadd.s32 $0xFFFF63C0  }
0x20: {  	[tilespmem:s15], [sflag:$0x1] =	stream.linear.gather [hbm4b:s14+s0], $0x5DC0, $0x38;
	[tilespmem:$0x1AB20] =	vst v63  }
0x21: {  	_ =	swait.ge [sflag:s12], $0x5DC0  }
0x22: {  	[sflag:s12] =	ssyncset.done $0x0  }
0x23: {  	s22 =	simm.s32 $0x19670;
	s17 =	rddreg [dreg:$0x5];
	[sflag:s12] =	ssyncadd.s32 $0xFFFFA240  }
0x24: {  	[tilespmem:s22], [sflag:$0x1] =	stream.linear.gather [hbm4b:s17+s0], $0x200, $0x38;
	[tilespmem:$0x1AB20] =	vst v63  }
0x25: {  	_ =	swait.ge [sflag:s12], $0x200  }
0x26: {  	[sflag:s12] =	ssyncset.done $0x0  }
0x27: {  	s26 =	rddreg [dreg:$0x6];
	[sflag:s12] =	ssyncadd.s32 $0xFFFFFE00  }
0x28: {  	[tilespmem:s20], [sflag:$0x1] =	stream.linear.gather [hbm4b:s26+s0], $0x200, $0x38;
	[tilespmem:$0x1AB20] =	vst v63  }
0x29: {  	_ =	swait.ge [sflag:s12], $0x200  }
0x2a: {  	[sflag:s12] =	ssyncset.done $0x0  }
0x2b: {  	s28 =	rddreg [dreg:$0x7];
	[sflag:s12] =	ssyncadd.s32 $0xFFFFFE00  }
0x2c: {  	[tilespmem:s16], [sflag:$0x1] =	stream.linear.gather [hbm4b:s28+s0], $0x200, $0x38;
	[tilespmem:$0x1AB20] =	vst v63  }
0x2d: {  	_ =	swait.ge [sflag:s12], $0x200  }
0x2e: {  	[sflag:s12] =	ssyncset.done $0x0  }
0x2f: {  	s30 =	simm.s32 $0x19CA0;
	s29 =	rddreg [dreg:$0x8];
	[sflag:s12] =	ssyncadd.s32 $0xFFFFFE00  }
0x30: {  	[tilespmem:s30], [sflag:$0x1] =	stream.linear.gather [hbm4b:s29+s0], $0x40, $0x38;
	[tilespmem:$0x1AB20] =	vst v63  }
0x31: {  	_ =	swait.ge [sflag:s12], $0x40  }
0x32: {  	[sflag:s12] =	ssyncset.done $0x0  }
0x33: {  	[sflag:s12] =	ssyncadd.s32 $0xFFFFFFC0  }
0x34: {  	v8 =	vld [tilespmem:s20+$0x0];
	_ =	sdelay $0x2  }
0x35: {  	v6 =	vmov s0  }
0x36: {  	vm2 =	vlt.u32 v6, v1;
	v7 =	vld [tilespmem:$0x19CA0]  }
0x37: {  	s0 =	simm.s32 $0x19CE0;
	v5 =	vld [tilespmem:$0x19CB0];
	v8 =	vnsel vm2, $0xBF800000, v8  }
0x38: {  	v6 =	vld [tilespmem:$0x19CC0];
	[tilespmem:s0+$0x0] =	vst v8  }
0x39: {  	s31 =	simm.s32 $0x1A300;
	[tilespmem:s21+$0x0] =	vst v2  }
0x3a: {  	s3 =	simm.s32 $0x1A310;
	s4 =	simm.s32 $0x1A920;
	[tilespmem:s31+$0x0] =	vst v3  }
0x3b: {  	s5 =	simm.s32 $0x1A510;
	s8 =	simm.s32 $0x19EE0;
	s6 =	simm.s32 $0x19880;
	[tilespmem:s23+$0x0] =	vst v3  }
0x3c: {  	s7 =	simm.s32 $0x1A0F0;
	s1 =	simm.s32 $0x10;
	s2 =	simm.s32 $0x19EF0;
	[tilespmem:s24+$0x0] =	vst v4  }
.LBB2_3:
0x3d: {  	[tilespmem:s8+$0x0] =	vst v2;
	s6 =	sadd.s32 $0x10, s6;
	s0 =	sadd.s32 $0x10, s0;
	s7 =	sadd.s32 $0x10, s7  }
0x3e: {  	p0 =	sne.s32 s1, $0x1F0;
	s9 =	smov.u32 s1;
	s1 =	sadd.s32 $0x10, s1;
	v8 =	vld [tilespmem:s6+$0x0]  }
0x3f: {  	s8 =	smov.u32 s2;
	_ =	sdelay $0x1  }
0x40: {  	v9 =	vmov s9  }
0x41: {  	vm2 =	vlt.u32 v9, v1  }
0x42: {  	v8 =	vnsel vm2, $0xBF800000, v8  }
.Ltmp1:
0x43: {  	[tilespmem:s0+$0x0] =	vst v8;
	(pc) =	sbr.rel @p0 .LBB2_3-.Ltmp1, $4  }
0x44: {  	[tilespmem:s7+$0x0] =	vst v2  }
0x45: {  	[tilespmem:s3+$0x0] =	vst v3  }
0x46: {  	s2 =	sadd.s32 $0x10, s2;
	[tilespmem:s4+$0x0] =	vst v3  }
0x47: {  	s3 =	sadd.s32 $0x10, s3;
	s4 =	sadd.s32 $0x10, s4;
	[tilespmem:s5+$0x0] =	vst v4;
	s5 =	sadd.s32 $0x10, s5  }
0x48: {  	[tilespmem:s8+$0x0] =	vst v2;
	s0 =	simm.s32 $0x100;
	s1 =	simm.s32 $0x19880  }
.LBB2_5:
0x49: {  	v8 =	vld [tilespmem:s1+$0x0];
	_ =	sdelay $0x4  }
0x4a: {  	v8 =	vnsel vm0, $0x0, v8  }
0x4b: {  	(xrf2) =	vadd.scan.msk.f32 $0xffff, v8;
	_ =	sdelay $0x5  }
0x4c: {  	s2 =	sshra.s32 s0, $0x2  }
0x4d: {  	v8 =	vld [tilespmem:s2+$0xFFFFFFC0]  }
0x4e: {  	v9 =	vld [tilespmem:s2+$0x9C10];
	_ =	sdelay $0x1  }
0x4f: {  	v10, _, _ =	vpop (xrf2)  }
0x50: {  	v10 =	vbroadcast v10, $0xF;
	_ =	sdelay $0x1  }
0x51: {  	v9 =	vmul.f32 v10, v9;
	_ =	sdelay $0x1  }
0x52: {  	[tilespmem:v8+s18+$0x0] =	vst.idx.add.f32.msk $0xffff, v9  }
0x53: {  	v8 =	vld [tilespmem:s2+$0xFFFFFFD0]  }
0x54: {  	v9 =	vld [tilespmem:s2+$0x9C20];
	_ =	sdelay $0x4  }
0x55: {  	v9 =	vmul.f32 v9, v10;
	_ =	sdelay $0x1  }
0x56: {  	[tilespmem:v8+s18+$0x0] =	vst.idx.add.f32.msk $0xffff, v9  }
0x57: {  	v8 =	vld [tilespmem:s2+$0xFFFFFFE0]  }
0x58: {  	v9 =	vld [tilespmem:s2+$0x9C30];
	_ =	sdelay $0x4  }
0x59: {  	v9 =	vmul.f32 v9, v10;
	_ =	sdelay $0x1  }
0x5a: {  	[tilespmem:v8+s18+$0x0] =	vst.idx.add.f32.msk $0xffff, v9  }
0x5b: {  	v8 =	vld [tilespmem:s2+$0xFFFFFFF0]  }
0x5c: {  	v9 =	vld [tilespmem:s2+$0x9C40];
	_ =	sdelay $0x4  }
0x5d: {  	v9 =	vmul.f32 v9, v10;
	_ =	sdelay $0x1  }
0x5e: {  	[tilespmem:v8+s18+$0x0] =	vst.idx.add.f32.msk $0xffff, v9  }
0x5f: {  	v8 =	vld [tilespmem:s2+$0x0]  }
0x60: {  	v9 =	vld [tilespmem:s2+$0x9C50];
	_ =	sdelay $0x1  }
0x61: {  	p0 =	sne.s32 s0, $0x270C0  }
.Ltmp2:
0x62: {  	_ = 	snop;
	(pc) =	sbr.rel @p0 .LBB2_5-.Ltmp2, $3  }
0x63: {  	_ = 	snop  }
0x64: {  	v9 =	vmul.f32 v9, v10;
	_ =	sdelay $0x1  }
0x65: {  	s1 =	sadd.s32 $0x1, s1;
	s0 =	sadd.s32 $0x140, s0;
	[tilespmem:v8+s18+$0x0] =	vst.idx.add.f32.msk $0xffff, v9  }
0x66: {  	s2 =	simm.s32 $0x0  }
0x67: {  	v9 =	vld [tilespmem:s2+$0x19880]  }
0x68: {  	v10 =	vld [tilespmem:s2+$0x19A90]  }
0x69: {  	v12 =	vld [tilespmem:s2+$0x19EE0]  }
0x6a: {  	v8 =	vimm.f32 $0.0e+00;
	s0 =	simm.s32 $0x0;
	s1 =	simm.s32 $0x40;
	v11 =	vimm.f32 $0.0e+00  }
.LBB2_7:
0x6b: {  	p0 =	sne.s32 s1, $0x7C0  }
.Ltmp3:
0x6c: {  	s2 =	sshra.s32 s1, $0x2;
	v13 =	vmov v9;
	(pc) =	sbr.rel @p0 .LBB2_7-.Ltmp3, $4  }
0x6d: {  	s1 =	sadd.s32 $0x40, s1;
	v9 =	vld [tilespmem:s2+$0x19880];
	v14 =	vmul.f32 v10, v13  }
0x6e: {  	v10 =	vld [tilespmem:s2+$0x19A90];
	v13 =	vmul.f32 v12, v13  }
0x6f: {  	v12 =	vld [tilespmem:s2+$0x19EE0];
	v8 =	vadd.f32 v14, v8  }
0x70: {  	v11 =	vadd.f32 v13, v11  }
0x71: {  	_ =	sdelay $0x2  }
0x72: {  	v10 =	vmul.f32 v10, v9;
	v9 =	vmul.f32 v12, v9;
	_ =	sdelay $0x1  }
0x73: {  	v8 =	vadd.f32 v10, v8;
	v9 =	vadd.f32 v9, v11  }
.LBB2_9:
0x74: {  	v10 =	vld [tilespmem:$0x19CE0]  }
0x75: {  	v11 =	vld [tilespmem:$0x19CF0]  }
0x76: {  	v12 =	vld [tilespmem:$0x19D00]  }
0x77: {  	v13 =	vld [tilespmem:$0x19D10]  }
0x78: {  	v14 =	vld [tilespmem:$0x19D20]  }
0x79: {  	v15 =	vld [tilespmem:$0x19D30];
	v10 =	vmax.f32 v10, $-2.000000000e+00  }
0x7a: {  	v10 =	vmax.f32 v10, v11;
	v11 =	vld [tilespmem:$0x19D40]  }
0x7b: {  	v10 =	vmax.f32 v10, v12;
	v12 =	vld [tilespmem:$0x19D50]  }
0x7c: {  	v10 =	vmax.f32 v10, v13;
	v13 =	vld [tilespmem:$0x19D60]  }
0x7d: {  	v10 =	vmax.f32 v10, v14;
	v14 =	vld [tilespmem:$0x19D70]  }
0x7e: {  	v10 =	vmax.f32 v10, v15;
	v15 =	vld [tilespmem:$0x19D80]  }
0x7f: {  	v10 =	vmax.f32 v10, v11;
	v11 =	vld [tilespmem:$0x19D90]  }
0x80: {  	v10 =	vmax.f32 v10, v12;
	v12 =	vld [tilespmem:$0x19DA0]  }
0x81: {  	v10 =	vmax.f32 v10, v13;
	v13 =	vld [tilespmem:$0x19DB0]  }
0x82: {  	v10 =	vmax.f32 v10, v14;
	v14 =	vld [tilespmem:$0x19DC0]  }
0x83: {  	v10 =	vmax.f32 v10, v15;
	v15 =	vld [tilespmem:$0x19DD0]  }
0x84: {  	v10 =	vmax.f32 v10, v11;
	v11 =	vld [tilespmem:$0x19DE0]  }
0x85: {  	v10 =	vmax.f32 v10, v12;
	v12 =	vld [tilespmem:$0x19DF0]  }
0x86: {  	v10 =	vmax.f32 v10, v13;
	v13 =	vld [tilespmem:$0x19E00]  }
0x87: {  	v10 =	vmax.f32 v10, v14;
	v14 =	vld [tilespmem:$0x19E10]  }
0x88: {  	v10 =	vmax.f32 v10, v15;
	v15 =	vld [tilespmem:$0x19E20]  }
0x89: {  	v10 =	vmax.f32 v10, v11;
	v11 =	vld [tilespmem:$0x19E30]  }
0x8a: {  	v10 =	vmax.f32 v10, v12;
	v12 =	vld [tilespmem:$0x19E40]  }
0x8b: {  	v10 =	vmax.f32 v10, v13;
	v13 =	vld [tilespmem:$0x19E50]  }
0x8c: {  	v10 =	vmax.f32 v10, v14;
	v14 =	vld [tilespmem:$0x19E60]  }
0x8d: {  	v10 =	vmax.f32 v10, v15;
	v15 =	vld [tilespmem:$0x19E70]  }
0x8e: {  	v10 =	vmax.f32 v10, v11;
	v11 =	vld [tilespmem:$0x19E80]  }
0x8f: {  	v10 =	vmax.f32 v10, v12;
	v12 =	vld [tilespmem:$0x19E90]  }
0x90: {  	v10 =	vmax.f32 v10, v13;
	v13 =	vld [tilespmem:$0x19EA0]  }
0x91: {  	v10 =	vmax.f32 v10, v14;
	v14 =	vld [tilespmem:$0x19EB0]  }
0x92: {  	v10 =	vmax.f32 v10, v15;
	v15 =	vld [tilespmem:$0x19EC0]  }
0x93: {  	v10 =	vmax.f32 v10, v11;
	v11 =	vld [tilespmem:$0x19ED0]  }
0x94: {  	v10 =	vmax.f32 v10, v12  }
0x95: {  	v10 =	vmax.f32 v10, v13  }
0x96: {  	v10 =	vmax.f32 v10, v14  }
0x97: {  	v10 =	vmax.f32 v10, v15  }
0x98: {  	v10 =	vmax.f32 v10, v11  }
0x99: {  	(xrf0) =	vmax.scan.msk.f32 $0xffff, v10;
	_ =	sdelay $0x2  }
0x9a: {  	s1 =	simm.s32 $0x19CE0  }
0x9b: {  	v12 =	vld [tilespmem:s1+$0x0];
	_ =	sdelay $0x1  }
0x9c: {  	v10, _, _ =	vpop (xrf0)  }
0x9d: {  	v11 =	vbroadcast v10, $0xF  }
0x9e: {  	s2 =	simm.s32 $0x0  }
0x9f: {  	s1 =	simm.s32 $0x10;
	v10 =	vimm.s32 $0x186A0;
	vm2 =	veq.f32 v12, v11;
	v12 =	vor.u32 s2, v0;
	s2 =	simm.s32 $0x19CF0  }
.LBB2_10:
0xa0: {  	v13 =	vld [tilespmem:s2+$0x0];
	p0 =	sne.s32 s1, $0x1F0;
	v12 =	vnsel vm2, $0x186A0, v12;
	s3 =	smov.u32 s1;
	s1 =	sadd.s32 $0x10, s1  }
.Ltmp4:
0xa1: {  	vm2 =	vlt.s32 v10, v12;
	(pc) =	sbr.rel @p0 .LBB2_10-.Ltmp4, $2  }
0xa2: {  	v10 =	vsel vm2, v10, v12;
	_ =	sdelay $0x2  }
0xa3: {  	s2 =	sadd.s32 $0x10, s2;
	v12 =	vor.u32 s3, v0;
	vm2 =	veq.f32 v13, v11  }
0xa4: {  	v11 =	vnsel vm2, $0x186A0, v12  }
0xa5: {  	vm2 =	vlt.s32 v10, v11  }
0xa6: {  	v10 =	vsel vm2, v10, v11  }
0xa7: {  	v10 =	vxor.u32 $0x80000000, v10  }
0xa8: {  	(xrf0) =	vmin.scan.msk.u32 $0xffff, v10;
	_ =	sdelay $0x5  }
0xa9: {  	v10, _, _ =	vpop (xrf0)  }
0xaa: {  	(v2sf) =	vpush v10, $0xF;
	_ =	sdelay $0xe  }
0xab: {  	s1 =	spop (v2sf)  }
0xac: {  	s2 =	sxor.u32 $0x80000000, s1  }
0xad: {  	s3 =	sshra.s32 s2, $0x1F  }
0xae: {  	s3 =	sshrl.u32 s3, $0x1C  }
0xaf: {  	s3 =	sadd.s32 s3, s2  }
0xb0: {  	p1 =	sgt.s32 s1, $0xFFFFFFFF;
	p0 =	slt.s32 s2, $0x1;
	s4 =	sand.u32 $0xFFFFFFF0, s3  }
0xb1: {  	p0 =	por p1, p0;
	p6 =	sne.s32 s2, s4  }
0xb2: {  	p0 =	por !p0, !p6  }
0xb3: {  	s4 =	simm.s32 $0x1;
	p0 =	por !p0, !p0  }
0xb4: {  	s3 =	sshrl.u32 s3, $0x4;
	s4 =	simm.s32 @!p0 $0x0  }
0xb5: {  	s3 =	ssub.s32 s3, s4  }
0xb6: {  	s3 =	sshll.u32 s3, $0x6  }
0xb7: {  	s3 =	sshra.s32 s3, $0x2  }
0xb8: {  	v10 =	vld [tilespmem:s3+$0x19CE0]  }
0xb9: {  	v11 =	vmov s0;
	s0 =	sadd.s32 $0x1, s0  }
0xba: {  	s1 =	sand.u32 $0xF, s1;
	p0 =	sne.s32 s0, $0x1F4  }
.Ltmp5:
0xbb: {  	v63 =	vmov s1;
	(pc) =	sbr.rel @p0 .LBB2_9-.Ltmp5, $4  }
0xbc: {  	vm2 =	veq.s32 v63, v0  }
0xbd: {  	v10 =	vsel vm2, $0xBF800000, v10  }
0xbe: {  	[tilespmem:s3+$0x19CE0] =	vst v10;
	v10 =	vmov s2  }
0xbf: {  	[tilespmem:v11+s19+$0x0] =	vst.idx.msk $0x1, v10  }
0xc0: {  	v10 =	vnsel vm0, $0x0, v7  }
0xc1: {  	v7 =	vsel vm1, $0x0, v7;
	(xrf2) =	vadd.scan.msk.f32 $0xffff, v10  }
0xc2: {  	(xrf2) =	vadd.scan.msk.f32 $0xffff, v7  }
0xc3: {  	(xrf2) =	vadd.scan.msk.f32 $0xffff, v9  }
0xc4: {  	(xrf2) =	vadd.scan.msk.f32 $0xffff, v8;
	_ =	sdelay $0x6  }
0xc5: {  	v7, _, _ =	vpop (xrf2)  }
0xc6: {  	v8, _, _ =	vpop (xrf2);
	(v2sf) =	vpush v7, $0xF  }
0xc7: {  	v7, _, _ =	vpop (xrf2);
	(v2sf) =	vpush v8, $0xF  }
0xc8: {  	(v2sf) =	vpush v7, $0xF;
	v7, _, _ =	vpop (xrf2)  }
0xc9: {  	(v2sf) =	vpush v7, $0xF;
	_ =	sdelay $0xa  }
.Ltmp6:
0xca: {  	_ = 	snop;
	(pc) =	sbr.rel .LBB2_13-.Ltmp6, $4  }
0xcb: {  	s26 =	spop (v2sf)  }
0xcc: {  	s28 =	spop (v2sf)  }
0xcd: {  	s0 =	spop (v2sf)  }
0xce: {  	s29 =	simm.s32 $0x0;
	s1 =	smul.f32 $5.000000000e-01, s0;
	s0 =	spop (v2sf)  }
.LBB2_30:
0xcf: {  	_ =	sdelay $0x3  }
0xd0: {  	[tilespmem:v11+s18+$0x0] =	vst.idx.add.f32.msk $0xffff, v12;
	s7 =	simm.s32 @!p0 $0x1A0F0  }
0xd1: {  	v11 =	vld.idx.msk @!p0 [tilespmem:v10+s7+$0x0], $0xffff  }
0xd2: {  	v12 =	vld @!p0 [tilespmem:s5+$0x0]  }
0xd3: {  	v13 =	vld @!p0 [tilespmem:s5+$0x9C50];
	_ =	sdelay $0x4  }
0xd4: {  	v13 =	vmul.f32 @!p0 v13, v11  }
0xd5: {  	s7 =	simm.s32 @!p0 $0x19EE0  }
0xd6: {  	[tilespmem:v12+s7+$0x0] =	vst.idx.add.f32.msk @!p0 $0xffff, v13  }
0xd7: {  	v12 =	vld @!p0 [tilespmem:s5+$0x10]  }
0xd8: {  	v13 =	vld @!p0 [tilespmem:s6+$0x9C50];
	_ =	sdelay $0x4  }
0xd9: {  	v13 =	vmul.f32 @!p0 v13, v11;
	_ =	sdelay $0x1  }
0xda: {  	[tilespmem:v12+s7+$0x0] =	vst.idx.add.f32.msk @!p0 $0xffff, v13  }
0xdb: {  	v12 =	vld @!p0 [tilespmem:s5+$0x20]  }
0xdc: {  	v13 =	vld @!p0 [tilespmem:s4+$0x9C50];
	_ =	sdelay $0x4  }
0xdd: {  	v13 =	vmul.f32 @!p0 v13, v11;
	_ =	sdelay $0x1  }
0xde: {  	[tilespmem:v12+s7+$0x0] =	vst.idx.add.f32.msk @!p0 $0xffff, v13  }
0xdf: {  	v12 =	vld @!p0 [tilespmem:s5+$0x30]  }
0xe0: {  	v13 =	vld @!p0 [tilespmem:s1+$0x9C50];
	_ =	sdelay $0x4  }
0xe1: {  	v13 =	vmul.f32 @!p0 v13, v11;
	_ =	sdelay $0x1  }
0xe2: {  	[tilespmem:v12+s7+$0x0] =	vst.idx.add.f32.msk @!p0 $0xffff, v13  }
0xe3: {  	v12 =	vld @!p0 [tilespmem:s5+$0x40]  }
0xe4: {  	v13 =	vld @!p0 [tilespmem:s0+$0x9C50];
	_ =	sdelay $0x4  }
0xe5: {  	v11 =	vmul.f32 @!p0 v13, v11;
	_ =	sdelay $0x1  }
0xe6: {  	s1 =	smov.u32 s2;
	s0 =	smov.u32 s3;
	[tilespmem:v12+s7+$0x0] =	vst.idx.add.f32.msk @!p0 $0xffff, v11  }
.LBB2_31:
0xe7: {  	_ =	sdelay $0x3  }
0xe8: {  	[tilespmem:v7+s21+$0x0] =	vst.idx.msk $0xffff, v5  }
0xe9: {  	[tilespmem:v8+s21+$0x0] =	vst.idx.msk $0xffff, v5  }
0xea: {  	[tilespmem:v9+s21+$0x0] =	vst.idx.msk $0xffff, v5  }
0xeb: {  	[tilespmem:v10+s21+$0x0] =	vst.idx.msk $0x1, v5  }
.LBB2_32:
0xec: {  	s29 =	sadd.s32 $0x1, s29  }
0xed: {  	p0 =	sne.s32 s29, $0x1F4  }
.Ltmp7:
0xee: {  	_ = 	snop;
	(pc) =	sbr.rel @!p0 .LBB2_33-.Ltmp7, $1  }
0xef: {  	_ =	sdelay $0x3  }
.LBB2_13:
0xf0: {  	v10 =	vld [tilespmem:s29+$0x1A700];
	_ =	sdelay $0x4  }
0xf1: {  	(v2sf) =	vpush v10, $0x0;
	_ =	sdelay $0xe  }
0xf2: {  	s13 =	spop (v2sf)  }
0xf3: {  	v7 =	vld [tilespmem:s13+$0x1A910]  }
0xf4: {  	v8 =	vld [tilespmem:s13+$0x19670];
	_ =	sdelay $0x3  }
0xf5: {  	(v2sf) =	vpush v7, $0x0  }
0xf6: {  	(v2sf) =	vpush v8, $0x0;
	_ =	sdelay $0xd  }
0xf7: {  	s2 =	spop (v2sf)  }
0xf8: {  	s31 =	spop (v2sf);
	p1 =	seq.s32 s2, $0x0  }
0xf9: {  	p0 =	sne.s32 @!p1 s31, $0x0  }
0xfa: {  	p0 =	por p1, !p0  }
.Ltmp8:
0xfb: {  	_ = 	snop;
	(pc) =	sbr.rel @!p0 .LBB2_32-.Ltmp8, $1  }
0xfc: {  	_ =	sdelay $0x3  }
0xfd: {  	s2 =	smul.u32 $0xC0, s13;
	_ =	sdelay $0x1  }
0xfe: {  	s2 =	sshra.s32 s2, $0x2  }
0xff: {  	v7 =	vld [tilespmem:s2+$0x138A0]  }
0x100: {  	v8 =	vld [tilespmem:s2+$0x138B0]  }
0x101: {  	v9 =	vld [tilespmem:s2+$0x138C0];
	_ =	sdelay $0x1  }
0x102: {  	v10 =	vbroadcast v10, $0x0;
	_ =	sdelay $0x1  }
0x103: {  	vm2 =	veq.s32 v7, v10;
	vm3 =	veq.s32 v8, v10  }
0x104: {  	vm2 =	vmor vm2, vm3;
	vm3 =	veq.s32 v9, v10  }
0x105: {  	vm2 =	vmor vm2, vm3  }
0x106: {  	v11 =	vsel vm2, $0x3F800000, v2  }
0x107: {  	(xrf0) =	vmax.scan.msk.f32 $0xffff, v11;
	_ =	sdelay $0x5  }
0x108: {  	v11, _, _ =	vpop (xrf0)  }
0x109: {  	(v2sf) =	vpush v11, $0xF;
	_ =	sdelay $0x6  }
0x10a: {  	v11 =	vld.idx.msk [tilespmem:v7+s20+$0x0], $0xffff  }
0x10b: {  	v12 =	vld.idx.msk [tilespmem:v8+s20+$0x0], $0xffff  }
0x10c: {  	v13 =	vld.idx.msk [tilespmem:v9+s20+$0x0], $0xffff;
	_ =	sdelay $0x2  }
0x10d: {  	v14 =	vsub.f32 $0.0e+00, v11  }
0x10e: {  	v12 =	vsub.f32 $0.0e+00, v12  }
0x10f: {  	v13 =	vsub.f32 $0.0e+00, v13;
	[tilespmem:v7+s21+$0x0] =	vst.idx.msk $0xffff, v14  }
0x110: {  	[tilespmem:v8+s21+$0x0] =	vst.idx.msk $0xffff, v12;
	s3 =	spop (v2sf)  }
0x111: {  	[tilespmem:v9+s21+$0x0] =	vst.idx.msk $0xffff, v13;
	p0 =	sgt.f32 s3, $0.0e+00  }
0x112: {  	v15 =	vld.idx.msk [tilespmem:v10+s20+$0x0], $0xffff;
	s3 =	smov.u32 s13  }
0x113: {  	s3 =	simm.s32 @p0 $0x200  }
0x114: {  	v11 =	vmov s3;
	_ =	sdelay $0x2  }
0x115: {  	v15 =	vsub.f32 $1.000000000e+00, v15;
	_ =	sdelay $0x1  }
0x116: {  	v16 =	vld [tilespmem:s13+$0x19880];
	[tilespmem:v11+s21+$0x0] =	vst.idx.msk $0x1, v15  }
0x117: {  	v15 =	vld.idx.msk [tilespmem:v7+s16+$0x0], $0xffff  }
0x118: {  	v17 =	vld.idx.msk [tilespmem:v7+s18+$0x0], $0xffff  }
0x119: {  	v18 =	vld.idx.msk [tilespmem:v8+s16+$0x0], $0xffff  }
0x11a: {  	v19 =	vld.idx.msk [tilespmem:v8+s18+$0x0], $0xffff  }
0x11b: {  	v20 =	vld.idx.msk [tilespmem:v9+s16+$0x0], $0xffff  }
0x11c: {  	v15 =	vmul.f32 v15, v14  }
0x11d: {  	v53 =	vld.idx.msk [tilespmem:v9+s18+$0x0], $0xffff  }
0x11e: {  	v14 =	vmul.f32 v17, v14;
	v18 =	vmul.f32 v18, v12;
	v15 =	vadd.f32 $0.0e+00, v15  }
0x11f: {  	v54 =	vld [tilespmem:s13+$0x19A90];
	v12 =	vmul.f32 v19, v12  }
0x120: {  	v55 =	vmul.f32 v20, v13;
	v14 =	vadd.f32 $0.0e+00, v14;
	v15 =	vadd.f32 v18, v15  }
0x121: {  	v16 =	vnsel vm0, $0x0, v16;
	v56 =	vld [tilespmem:s13+$0x19EE0]  }
0x122: {  	v13 =	vmul.f32 v53, v13;
	v12 =	vadd.f32 v12, v14;
	v15 =	vadd.f32 v55, v15  }
0x123: {  	(xrf2) =	vadd.scan.msk.f32 $0xffff, v16  }
0x124: {  	v57 =	vnsel vm0, $0x0, v54;
	v12 =	vadd.f32 v13, v12;
	(xrf2) =	vadd.scan.msk.f32 $0xffff, v15  }
0x125: {  	(xrf2) =	vadd.scan.msk.f32 $0xffff, v57  }
0x126: {  	v58 =	vnsel vm0, $0x0, v56;
	(xrf2) =	vadd.scan.msk.f32 $0xffff, v12  }
0x127: {  	(xrf2) =	vadd.scan.msk.f32 $0xffff, v58;
	_ =	sdelay $0x5  }
0x128: {  	v59, _, _ =	vpop (xrf2)  }
0x129: {  	(v2sf) =	vpush v59, $0xF;
	v60, _, _ =	vpop (xrf2)  }
0x12a: {  	v61, _, _ =	vpop (xrf2);
	(v2sf) =	vpush v60, $0xF  }
0x12b: {  	v62, _, _ =	vpop (xrf2);
	(v2sf) =	vpush v61, $0xF  }
0x12c: {  	(v2sf) =	vpush v62, $0xF;
	v63, _, _ =	vpop (xrf2)  }
0x12d: {  	(v2sf) =	vpush v63, $0xF;
	_ =	sdelay $0x9  }
0x12e: {  	p2 =	slt.s32 s31, $0x1  }
.Ltmp9:
0x12f: {  	s3 =	spop (v2sf);
	(pc) =	sbr.rel @p2 .LBB2_27-.Ltmp9, $4  }
0x130: {  	s14 =	spop (v2sf)  }
0x131: {  	s15 =	spop (v2sf)  }
0x132: {  	s17 =	spop (v2sf)  }
0x133: {  	s30 =	sadd.s32 $0x138A0, s2;
	s2 =	simm.f32 $0.0e+00;
	s4 =	spop (v2sf)  }
0x134: {  	p6 =	sne.s32 s31, $0x1  }
.Ltmp10:
0x135: {  	_ = 	snop;
	(pc) =	sbr.rel @!p6 .LBB2_16-.Ltmp10, $3  }
0x136: {  	_ =	sdelay $0x1  }
0x137: {  	s5 =	sadd.s32 $0xFFFFFFFF, s31;
	p2 =	por $0x0, $0x0  }
0x138: {  	v12 =	vld [tilespmem:s30+$0x0];
	p3 =	por $0x0, $0x0;
	p4 =	por $0x0, $0x0;
	p5 =	por $0x0, $0x0  }
0x139: {  	p6 =	sne.s32 s5, $0x1  }
.Ltmp11:
0x13a: {  	_ = 	snop;
	(pc) =	sbr.rel @!p6 .LBB2_18-.Ltmp11, $3  }
0x13b: {  	_ =	sdelay $0x1  }
0x13c: {  	s7 =	sadd.s32 $0x1, s30  }
0x13d: {  	s5 =	sadd.s32 $0xFFFFFFFF, s5;
	p2 =	por $0x1, $0x1;
	(v2sf) =	vpush v12, $0x0;
	v12 =	vld [tilespmem:s7+$0x0]  }
0x13e: {  	_ =	sdelay $0xd  }
0x13f: {  	s8 =	sadd.s32 $0x1, s7;
	s9 =	spop (v2sf)  }
0x140: {  	(v2sf) =	vpush v12, $0x0;
	v12 =	vld [tilespmem:s8+$0x0];
	s6 =	smul.u32 $0x50, s9  }
0x141: {  	v14 =	vld [tilespmem:s9+$0x1A0F0]  }
0x142: {  	v13 =	vld [tilespmem:s6+$0x0]  }
0x143: {  	v16 =	vld [tilespmem:s6+$0x10]  }
0x144: {  	v26 =	vld [tilespmem:s6+$0x20]  }
0x145: {  	v15 =	vld [tilespmem:s6+$0x9C90]  }
0x146: {  	p6 =	sne.s32 s5, $0x1;
	v30 =	vld [tilespmem:s6+$0x30]  }
.Ltmp12:
0x147: {  	v29 =	vld [tilespmem:s6+$0x40];
	(pc) =	sbr.rel @!p6 .LBB2_20-.Ltmp12, $4  }
0x148: {  	v25 =	vld [tilespmem:s6+$0x9C50]  }
0x149: {  	v28 =	vld [tilespmem:s6+$0x9C60]  }
0x14a: {  	v24 =	vld.idx.msk [tilespmem:v13+s21+$0x0], $0xffff  }
0x14b: {  	s5 =	sadd.s32 $0xFFFFFFFF, s5;
	p3 =	por $0x1, $0x1;
	v27 =	vld.idx.msk [tilespmem:v16+s21+$0x0], $0xffff  }
0x14c: {  	_ =	sdelay $0x3  }
0x14d: {  	v13 =	vld.idx.msk [tilespmem:v26+s21+$0x0], $0xffff  }
0x14e: {  	v16 =	vld [tilespmem:s6+$0x9C70]  }
0x14f: {  	v17 =	vld.idx.msk [tilespmem:v30+s21+$0x0], $0xffff  }
0x150: {  	v18 =	vld [tilespmem:s6+$0x9C80]  }
0x151: {  	v20 =	vld.idx.msk [tilespmem:v29+s21+$0x0], $0xffff;
	s8 =	sadd.s32 $0x1, s8;
	s9 =	spop (v2sf);
	v19 =	vmul.f32 v24, v25  }
0x152: {  	(v2sf) =	vpush v12, $0x0;
	v12 =	vld [tilespmem:s8+$0x0];
	s7 =	smul.u32 $0x50, s9  }
0x153: {  	v21 =	vmul.f32 v27, v28;
	v19 =	vadd.f32 $0.0e+00, v19;
	v16 =	vmul.f32 v13, v16;
	v13 =	vld [tilespmem:s9+$0x1A0F0]  }
0x154: {  	v62 =	vld [tilespmem:s7+$0x0]  }
0x155: {  	v63 =	vld [tilespmem:s7+$0x10];
	v19 =	vadd.f32 v21, v19  }
0x156: {  	v22 =	vld [tilespmem:s7+$0x30]  }
0x157: {  	v17 =	vmul.f32 v17, v18;
	v23 =	vld [tilespmem:s7+$0x40];
	v19 =	vadd.f32 v16, v19  }
0x158: {  	p6 =	sne.s32 s5, $0x1;
	v15 =	vmul.f32 v20, v15;
	v20 =	vld [tilespmem:s7+$0x9C60]  }
.Ltmp13:
0x159: {  	v21 =	vld [tilespmem:s7+$0x20];
	v18 =	vadd.f32 v17, v19;
	(pc) =	sbr.rel @!p6 .LBB2_22-.Ltmp13, $4  }
0x15a: {  	v16 =	vld [tilespmem:s7+$0x9C90]  }
0x15b: {  	v14 =	vnsel vm0, $0x0, v14;
	v15 =	vadd.f32 v15, v18;
	v18 =	vld [tilespmem:s7+$0x9C50]  }
0x15c: {  	(xrf2) =	vadd.scan.msk.f32 $0xffff, v14;
	v17 =	vld.idx.msk [tilespmem:v62+s21+$0x0], $0xffff  }
0x15d: {  	s5 =	sadd.s32 $0xFFFFFFFF, s5;
	p4 =	por $0x1, $0x1;
	v19 =	vld.idx.msk [tilespmem:v63+s21+$0x0], $0xffff;
	(xrf2) =	vadd.scan.msk.f32 $0xffff, v15  }
0x15e: {  	_ =	sdelay $0x3  }
0x15f: {  	v14 =	vld.idx.msk [tilespmem:v21+s21+$0x0], $0xffff;
	s9 =	spop (v2sf)  }
0x160: {  	v15 =	vld [tilespmem:s7+$0x9C70];
	s6 =	smul.u32 $0x50, s9  }
0x161: {  	v24 =	vld.idx.msk [tilespmem:v22+s21+$0x0], $0xffff  }
0x162: {  	v26 =	vmul.f32 v17, v18;
	v28 =	vld [tilespmem:s6+$0x0]  }
0x163: {  	v25 =	vld [tilespmem:s7+$0x9C80]  }
0x164: {  	v29 =	vmul.f32 v19, v20;
	v26 =	vadd.f32 $0.0e+00, v26;
	_ =	sdelay $0x1  }
0x165: {  	v15 =	vmul.f32 v14, v15;
	v29 =	vadd.f32 v29, v26;
	_ =	sdelay $0x1  }
0x166: {  	(v2sf) =	vpush v12, $0x0;
	v24 =	vmul.f32 v24, v25;
	v29 =	vadd.f32 v15, v29  }
0x167: {  	v27 =	vld.idx.msk [tilespmem:v23+s21+$0x0], $0xffff  }
0x168: {  	v25 =	vadd.f32 v24, v29;
	v24 =	vld.idx.msk [tilespmem:v28+s21+$0x0], $0xffff;
	v28, _, _ =	vpop (xrf2)  }
0x169: {  	s8 =	sadd.s32 $0x1, s8;
	v31 =	vld [tilespmem:s6+$0x10];
	(v2sf) =	vpush v28, $0xF;
	v28, _, _ =	vpop (xrf2)  }
0x16a: {  	v12 =	vld [tilespmem:s8+$0x0];
	(v2sf) =	vpush v28, $0xF  }
0x16b: {  	v26 =	vld [tilespmem:s6+$0x20]  }
0x16c: {  	v32 =	vnsel vm0, $0x0, v13;
	v14 =	vld [tilespmem:s9+$0x1A0F0];
	v27 =	vmul.f32 v27, v16  }
0x16d: {  	p6 =	sne.s32 s5, $0x1;
	v30 =	vld [tilespmem:s6+$0x30];
	(xrf2) =	vadd.scan.msk.f32 $0xffff, v32  }
.Ltmp14:
0x16e: {  	v15 =	vld [tilespmem:s6+$0x9C90];
	v33 =	vadd.f32 v27, v25;
	(pc) =	sbr.rel @!p6 .LBB2_24-.Ltmp14, $4  }
0x16f: {  	v29 =	vld [tilespmem:s6+$0x40]  }
0x170: {  	v25 =	vld [tilespmem:s6+$0x9C50];
	(xrf2) =	vadd.scan.msk.f32 $0xffff, v33  }
0x171: {  	v27 =	vld.idx.msk [tilespmem:v31+s21+$0x0], $0xffff  }
0x172: {  	p5 =	por $0x1, $0x1;
	s9 =	sadd.s32 $0xFFFFFFFF, s5;
	s5 =	simm.f32 $0.0e+00;
	v28 =	vld [tilespmem:s6+$0x9C60]  }
.LBB2_25:
0x173: {  	p6 =	sne.s32 s9, $0x1;
	v26 =	vld.idx.msk [tilespmem:v26+s21+$0x0], $0xffff  }
0x174: {  	v31 =	vld [tilespmem:s6+$0x9C70]  }
0x175: {  	s10 =	spop (v2sf);
	v24 =	vmul.f32 v24, v25;
	v25 =	vld.idx.msk [tilespmem:v30+s21+$0x0], $0xffff  }
0x176: {  	v30 =	vld [tilespmem:s6+$0x9C80];
	s6 =	smul.u32 $0x50, s10  }
0x177: {  	(v2sf) =	vpush v12, $0x0;
	v24 =	vadd.f32 $0.0e+00, v24;
	v27 =	vmul.f32 v27, v28;
	v28 =	vld.idx.msk [tilespmem:v29+s21+$0x0], $0xffff;
	v29, _, _ =	vpop (xrf2)  }
0x178: {  	s8 =	sadd.s32 $0x1, s8;
	v32 =	vld [tilespmem:s6+$0x0];
	s11 =	spop (v2sf)  }
0x179: {  	v12 =	vld [tilespmem:s8+$0x0];
	v24 =	vadd.f32 v27, v24;
	v26 =	vmul.f32 v26, v31;
	s22 =	spop (v2sf)  }
0x17a: {  	v27 =	vld [tilespmem:s6+$0x10];
	(v2sf) =	vpush v29, $0xF;
	v29, _, _ =	vpop (xrf2);
	s11 =	smul.f32 s22, s11  }
0x17b: {  	v31 =	vld [tilespmem:s10+$0x1A0F0];
	v24 =	vadd.f32 v26, v24;
	v25 =	vmul.f32 v25, v30;
	(v2sf) =	vpush v29, $0xF  }
0x17c: {  	v26 =	vld [tilespmem:s6+$0x20];
	s5 =	sadd.f32 s11, s5  }
0x17d: {  	v14 =	vnsel vm0, $0x0, v14;
	v24 =	vadd.f32 v25, v24;
	v25 =	vmul.f32 v28, v15;
	v15 =	vld [tilespmem:s6+$0x9C90]  }
0x17e: {  	v30 =	vld [tilespmem:s6+$0x30];
	(xrf2) =	vadd.scan.msk.f32 $0xffff, v14  }
.Ltmp15:
0x17f: {  	v29 =	vld [tilespmem:s6+$0x40];
	v28 =	vadd.f32 v25, v24;
	(pc) =	sbr.rel @p6 .LBB2_25-.Ltmp15, $4  }
0x180: {  	v24 =	vld.idx.msk [tilespmem:v32+s21+$0x0], $0xffff;
	v14 =	vmov v31  }
0x181: {  	v25 =	vld [tilespmem:s6+$0x9C50];
	(xrf2) =	vadd.scan.msk.f32 $0xffff, v28  }
0x182: {  	v27 =	vld.idx.msk [tilespmem:v27+s21+$0x0], $0xffff  }
0x183: {  	s9 =	sadd.s32 $0xFFFFFFFF, s9;
	v28 =	vld [tilespmem:s6+$0x9C60]  }
.LBB2_26:
0x184: {  	_ =	sdelay $0x3  }
0x185: {  	v26 =	vld.idx.msk @p3 [tilespmem:v26+s21+$0x0], $0xffff  }
0x186: {  	(v2sf) =	vpush v12, $0x0;
	v12 =	vld @p3 [tilespmem:s6+$0x9C70]  }
0x187: {  	v30 =	vld.idx.msk @p3 [tilespmem:v30+s21+$0x0], $0xffff  }
0x188: {  	v31 =	vld @p3 [tilespmem:s6+$0x9C80];
	s8 =	spop @p2 (v2sf)  }
0x189: {  	v29 =	vld.idx.msk @p3 [tilespmem:v29+s21+$0x0], $0xffff;
	s9 =	smul.u32 @p2 $0x50, s8  }
0x18a: {  	v35 =	vld @p2 [tilespmem:s8+$0x1A0F0]  }
0x18b: {  	v32 =	vld @p2 [tilespmem:s9+$0x0]  }
0x18c: {  	v33 =	vld @p2 [tilespmem:s9+$0x10]  }
0x18d: {  	v34 =	vld @p2 [tilespmem:s9+$0x20]  }
0x18e: {  	v36 =	vld @p2 [tilespmem:s9+$0x30]  }
0x18f: {  	v37 =	vld @p2 [tilespmem:s9+$0x9C90]  }
0x190: {  	v38 =	vld @p2 [tilespmem:s9+$0x40];
	s7 =	smov.u32 @p2 s9  }
0x191: {  	v39 =	vld @p2 [tilespmem:s7+$0x9C70]  }
0x192: {  	v41 =	vld @p2 [tilespmem:s7+$0x9C80];
	v21 =	vpsel p2, v34, v21  }
0x193: {  	s6 =	spop @p5 (v2sf);
	v34 =	vld @p2 [tilespmem:s9+$0x9C50]  }
0x194: {  	s8 =	spop @p5 (v2sf);
	v22 =	vpsel p2, v36, v22;
	v36 =	vld @p2 [tilespmem:s9+$0x9C60]  }
0x195: {  	v32 =	vld.idx.msk @p2 [tilespmem:v32+s21+$0x0], $0xffff;
	s10 =	spop (v2sf)  }
0x196: {  	v23 =	vpsel p2, v38, v23;
	v33 =	vld.idx.msk @p2 [tilespmem:v33+s21+$0x0], $0xffff;
	s22 =	smul.u32 $0x50, s10  }
0x197: {  	v21 =	vld.idx.msk @p2 [tilespmem:v21+s21+$0x0], $0xffff  }
0x198: {  	v63 =	vld [tilespmem:s22+$0x0]  }
0x199: {  	v22 =	vld.idx.msk @p2 [tilespmem:v22+s21+$0x0], $0xffff  }
0x19a: {  	v40 =	vld [tilespmem:s22+$0x10]  }
0x19b: {  	v23 =	vld.idx.msk @p2 [tilespmem:v23+s21+$0x0], $0xffff  }
0x19c: {  	v42 =	vld [tilespmem:s22+$0x20]  }
0x19d: {  	v24 =	vmul.f32 @p3 v24, v25;
	v45 =	vld [tilespmem:s22+$0x30]  }
0x19e: {  	v46 =	vld [tilespmem:s22+$0x40]  }
0x19f: {  	v24 =	vadd.f32 @p3 $0.0e+00, v24;
	v27 =	vmul.f32 @p3 v27, v28;
	v47 =	vld [tilespmem:s22+$0x9C50]  }
0x1a0: {  	v12 =	vmul.f32 @p3 v26, v12;
	v38 =	vld.idx.msk [tilespmem:v63+s21+$0x0], $0xffff  }
0x1a1: {  	v24 =	vadd.f32 @p3 v27, v24;
	v18 =	vpsel p2, v34, v18;
	v17 =	vpsel p2, v32, v17;
	v49 =	vld [tilespmem:s22+$0x9C60]  }
0x1a2: {  	v17 =	vmul.f32 @p2 v17, v18;
	v48 =	vld.idx.msk [tilespmem:v40+s21+$0x0], $0xffff  }
0x1a3: {  	v12 =	vadd.f32 @p3 v12, v24;
	v20 =	vpsel p2, v36, v20;
	v19 =	vpsel p2, v33, v19;
	v51 =	vld [tilespmem:s22+$0x9C70]  }
0x1a4: {  	v24 =	vmul.f32 @p3 v30, v31;
	v19 =	vmul.f32 @p2 v19, v20;
	v17 =	vadd.f32 @p2 $0.0e+00, v17;
	v50 =	vld.idx.msk [tilespmem:v42+s21+$0x0], $0xffff  }
0x1a5: {  	v14 =	vnsel @p3 vm0, $0x0, v14;
	v15 =	vmul.f32 @p3 v29, v15;
	v53 =	vld [tilespmem:s22+$0x9C80];
	v52 =	vmul.f32 v38, v47  }
0x1a6: {  	v12 =	vadd.f32 @p3 v24, v12;
	v17 =	vadd.f32 @p2 v19, v17;
	v19 =	vmul.f32 @p2 v21, v39;
	v25 =	vld.idx.msk [tilespmem:v45+s21+$0x0], $0xffff  }
0x1a7: {  	(xrf2) =	vadd.scan.msk.f32 @p3 $0xffff, v14;
	v54 =	vld [tilespmem:s22+$0x9C90];
	v18 =	vmul.f32 v48, v49;
	v24 =	vadd.f32 $0.0e+00, v52  }
0x1a8: {  	v16 =	vpsel p2, v37, v16;
	v12 =	vadd.f32 @p3 v15, v12;
	v15 =	vadd.f32 @p2 v19, v17;
	v55 =	vld.idx.msk [tilespmem:v46+s21+$0x0], $0xffff  }
0x1a9: {  	v14 =	vmovc @p2 v35;
	v17 =	vmul.f32 @p2 v22, v41;
	v20 =	vmul.f32 v50, v51;
	v18 =	vadd.f32 v18, v24  }
0x1aa: {  	(xrf2) =	vadd.scan.msk.f32 @p3 $0xffff, v12;
	v12 =	vpsel p2, v14, v13;
	v16 =	vmul.f32 @p2 v23, v16  }
0x1ab: {  	v56 =	vld [tilespmem:s10+$0x1A0F0];
	v15 =	vadd.f32 @p2 v17, v15;
	v58 =	vmul.f32 v25, v53;
	v57 =	vadd.f32 v20, v18  }
0x1ac: {  	v12 =	vnsel @p2 vm0, $0x0, v12  }
0x1ad: {  	v15 =	vadd.f32 @p2 v16, v15;
	v60 =	vmul.f32 v55, v54;
	v59 =	vadd.f32 v58, v57  }
0x1ae: {  	(xrf2) =	vadd.scan.msk.f32 @p2 $0xffff, v12  }
0x1af: {  	(xrf2) =	vadd.scan.msk.f32 @p2 $0xffff, v15;
	v12 =	vadd.f32 v60, v59  }
0x1b0: {  	v61 =	vnsel vm0, $0x0, v56  }
0x1b1: {  	(xrf2) =	vadd.scan.msk.f32 $0xffff, v61  }
0x1b2: {  	v13, _, _ =	vpop @p4 (xrf2);
	(xrf2) =	vadd.scan.msk.f32 $0xffff, v12  }
0x1b3: {  	(v2sf) =	vpush @p4 v13, $0xF;
	v12, _, _ =	vpop @p4 (xrf2)  }
0x1b4: {  	(v2sf) =	vpush @p4 v12, $0xF  }
0x1b5: {  	v12, _, _ =	vpop @p3 (xrf2)  }
0x1b6: {  	v13, _, _ =	vpop @p3 (xrf2);
	(v2sf) =	vpush @p3 v12, $0xF  }
0x1b7: {  	(v2sf) =	vpush @p3 v13, $0xF  }
0x1b8: {  	v12, _, _ =	vpop @p2 (xrf2)  }
0x1b9: {  	v13, _, _ =	vpop @p2 (xrf2);
	(v2sf) =	vpush @p2 v12, $0xF  }
0x1ba: {  	(v2sf) =	vpush @p2 v13, $0xF  }
0x1bb: {  	v62, _, _ =	vpop (xrf2)  }
0x1bc: {  	(v2sf) =	vpush v62, $0xF;
	v63, _, _ =	vpop (xrf2)  }
0x1bd: {  	(v2sf) =	vpush v63, $0xF;
	_ =	sdelay $0x3  }
0x1be: {  	s6 =	smul.f32 @p5 s8, s6  }
0x1bf: {  	s7 =	spop @p4 (v2sf)  }
0x1c0: {  	s5 =	sadd.f32 @p5 s6, s5;
	s8 =	spop @p4 (v2sf)  }
0x1c1: {  	s6 =	simm.f32 $0.0e+00;
	s7 =	smul.f32 @p4 s8, s7  }
0x1c2: {  	s6 =	smov.u32 @p5 s5;
	s8 =	spop @p3 (v2sf)  }
0x1c3: {  	s5 =	spop @p3 (v2sf);
	s6 =	sadd.f32 @p4 s7, s6  }
0x1c4: {  	s7 =	simm.f32 $0.0e+00;
	s5 =	smul.f32 @p3 s5, s8  }
0x1c5: {  	s8 =	spop @p2 (v2sf);
	s7 =	smov.u32 @p4 s6  }
0x1c6: {  	s6 =	spop @p2 (v2sf);
	s5 =	sadd.f32 @p3 s5, s7  }
0x1c7: {  	s7 =	simm.f32 $0.0e+00;
	s6 =	smul.f32 @p2 s6, s8  }
0x1c8: {  	s11 =	spop (v2sf);
	s7 =	smov.u32 @p3 s5  }
0x1c9: {  	s22 =	spop (v2sf);
	s6 =	sadd.f32 @p2 s6, s7  }
0x1ca: {  	s5 =	smul.f32 s22, s11  }
0x1cb: {  	s2 =	smov.u32 @p2 s6  }
0x1cc: {  	s2 =	sadd.f32 s5, s2  }
.LBB2_27:
0x1cd: {  	s5 =	smul.u32 $0x50, s13;
	_ =	sdelay $0x1  }
0x1ce: {  	v12 =	vld [tilespmem:s5+$0x0];
	_ =	sdelay $0x1  }
0x1cf: {  	v13 =	vld [tilespmem:s5+$0x10];
	_ =	sdelay $0x1  }
0x1d0: {  	v14 =	vld [tilespmem:s5+$0x20]  }
0x1d1: {  	v15 =	vld [tilespmem:s5+$0x9C50]  }
0x1d2: {  	v16 =	vld [tilespmem:s5+$0x30]  }
0x1d3: {  	v17 =	vld [tilespmem:s5+$0x40]  }
0x1d4: {  	v12 =	vld.idx.msk [tilespmem:v12+s21+$0x0], $0xffff  }
0x1d5: {  	v18 =	vld [tilespmem:s5+$0x9C60]  }
0x1d6: {  	v13 =	vld.idx.msk [tilespmem:v13+s21+$0x0], $0xffff  }
0x1d7: {  	v19 =	vld [tilespmem:s5+$0x9C70]  }
0x1d8: {  	v14 =	vld.idx.msk [tilespmem:v14+s21+$0x0], $0xffff  }
0x1d9: {  	v58 =	vld [tilespmem:s5+$0x9C80];
	v12 =	vmul.f32 v12, v15  }
0x1da: {  	v16 =	vld.idx.msk [tilespmem:v16+s21+$0x0], $0xffff  }
0x1db: {  	v59 =	vld [tilespmem:s5+$0x9C90];
	v13 =	vmul.f32 v13, v18;
	v12 =	vadd.f32 $0.0e+00, v12  }
0x1dc: {  	v17 =	vld.idx.msk [tilespmem:v17+s21+$0x0], $0xffff  }
0x1dd: {  	v60 =	vmul.f32 v14, v19;
	v12 =	vadd.f32 v13, v12;
	_ =	sdelay $0x1  }
0x1de: {  	v61 =	vmul.f32 v16, v58;
	v12 =	vadd.f32 v60, v12;
	_ =	sdelay $0x1  }
0x1df: {  	v62 =	vmul.f32 v17, v59;
	v12 =	vadd.f32 v61, v12;
	_ =	sdelay $0x1  }
0x1e0: {  	v12 =	vadd.f32 v62, v12;
	_ =	sdelay $0x1  }
0x1e1: {  	(xrf2) =	vadd.scan.msk.f32 $0xffff, v12;
	_ =	sdelay $0x9  }
0x1e2: {  	v12, _, _ =	vpop (xrf2)  }
0x1e3: {  	(v2sf) =	vpush v12, $0xF;
	_ =	sdelay $0x9  }
0x1e4: {  	s3 =	ssub.f32 $1.000000000e+00, s3;
	_ =	sdelay $0x1  }
0x1e5: {  	s6 =	smov.u32 s3  }
0x1e6: {  	s6 =	simm.s32 @p0 $0x0  }
0x1e7: {  	s4 =	smul.f32 s4, s6  }
0x1e8: {  	s6 =	smul.f32 s15, s6;
	s7 =	spop (v2sf)  }
0x1e9: {  	s3 =	smul.f32 s7, s3  }
0x1ea: {  	s4 =	sadd.f32 s4, s17  }
0x1eb: {  	s15 =	sadd.f32 s6, s14;
	s3 =	simm.s32 @p0 $0x0  }
0x1ec: {  	s2 =	sadd.f32 s3, s2  }
0x1ed: {  	s3 =	sadd.f32 s15, s0  }
0x1ee: {  	s4 =	sadd.f32 s4, s1;
	s2 =	smul.f32 $5.000000000e-01, s2  }
0x1ef: {  	s17 =	ssub.f32 s28, s3  }
0x1f0: {  	s2 =	sadd.f32 s2, s4;
	_ =	sdelay $0x1  }
0x1f1: {  	s4 =	sadd.f32 s2, s17;
	_ =	sdelay $0x1  }
0x1f2: {  	p2 =	sle.f32 s4, s26  }
0x1f3: {  	p3 =	sgt.s32 s31, $0x0  }
0x1f4: {  	p2 =	por !p3, !p2  }
0x1f5: {  	p2 =	por !p2, !p2  }
0x1f6: {  	p1 =	por !p1, !p2  }
0x1f7: {  	p1 =	por !p1, !p1  }
.Ltmp16:
0x1f8: {  	p6 =	seq.s32 s31, $0x0;
	(pc) =	sbr.rel @!p1 .LBB2_31-.Ltmp16, $4  }
0x1f9: {  	s4 =	simm.s32 $0x1;
	p2 =	por p6, p1  }
0x1fa: {  	s4 =	simm.s32 @!p2 $0x0  }
0x1fb: {  	s22 =	simm.s32 $0x1A300;
	v63 =	vmov s4  }
0x1fc: {  	[tilespmem:v10+s22+$0x0] =	vst.idx.msk $0x1, v63  }
0x1fd: {  	_ =	sdelay $0x2  }
0x1fe: {  	v12 =	vadd.s32 $0x1, v7  }
0x1ff: {  	[tilespmem:v7+s23+$0x0] =	vst.idx.msk $0xffff, v12  }
0x200: {  	v12 =	vadd.s32 $0x1, v8;
	[tilespmem:v7+s20+$0x0] =	vst.idx.msk $0xffff, v5  }
0x201: {  	[tilespmem:v8+s23+$0x0] =	vst.idx.msk $0xffff, v12  }
0x202: {  	v12 =	vadd.s32 $0x1, v9;
	[tilespmem:v8+s20+$0x0] =	vst.idx.msk $0xffff, v5  }
0x203: {  	[tilespmem:v9+s23+$0x0] =	vst.idx.msk $0xffff, v12  }
0x204: {  	[tilespmem:v9+s20+$0x0] =	vst.idx.msk $0xffff, v5  }
0x205: {  	[tilespmem:v11+s20+$0x0] =	vst.idx.msk $0x1, v6  }
0x206: {  	v11 =	vld [tilespmem:s30+$0x0];
	_ =	sdelay $0x4  }
0x207: {  	(v2sf) =	vpush v11, $0x0;
	_ =	sdelay $0xa  }
0x208: {  	v11 =	vbroadcast v11, $0x0;
	_ =	sdelay $0x3  }
0x209: {  	s0 =	spop (v2sf)  }
0x20a: {  	s8 =	smul.u32 $0x50, s0  }
0x20b: {  	v12 =	vld.idx.msk [tilespmem:v11+s21+$0x0], $0xffff  }
0x20c: {  	v11 =	vld [tilespmem:s8+$0x0]  }
0x20d: {  	v13 =	vld [tilespmem:s8+$0x9C50];
	_ =	sdelay $0x4  }
0x20e: {  	v13 =	vmul.f32 v13, v12;
	_ =	sdelay $0x1  }
0x20f: {  	[tilespmem:v11+s18+$0x0] =	vst.idx.add.f32.msk $0xffff, v13  }
0x210: {  	v11 =	vld [tilespmem:s8+$0x10]  }
0x211: {  	v13 =	vld [tilespmem:s8+$0x9C60];
	_ =	sdelay $0x4  }
0x212: {  	v13 =	vmul.f32 v13, v12;
	_ =	sdelay $0x1  }
0x213: {  	[tilespmem:v11+s18+$0x0] =	vst.idx.add.f32.msk $0xffff, v13  }
0x214: {  	v11 =	vld [tilespmem:s8+$0x20]  }
0x215: {  	v13 =	vld [tilespmem:s8+$0x9C70];
	_ =	sdelay $0x4  }
0x216: {  	v13 =	vmul.f32 v13, v12;
	_ =	sdelay $0x1  }
0x217: {  	[tilespmem:v11+s18+$0x0] =	vst.idx.add.f32.msk $0xffff, v13  }
0x218: {  	v11 =	vld [tilespmem:s8+$0x30]  }
0x219: {  	v13 =	vld [tilespmem:s8+$0x9C80];
	_ =	sdelay $0x4  }
0x21a: {  	v13 =	vmul.f32 v13, v12;
	_ =	sdelay $0x1  }
0x21b: {  	[tilespmem:v11+s18+$0x0] =	vst.idx.add.f32.msk $0xffff, v13  }
0x21c: {  	v11 =	vld [tilespmem:s8+$0x40]  }
0x21d: {  	v13 =	vld [tilespmem:s8+$0x9C90]  }
0x21e: {  	p1 =	sne.s32 s31, $0x1  }
.Ltmp17:
0x21f: {  	_ = 	snop;
	(pc) =	sbr.rel @!p1 .LBB2_30-.Ltmp17, $3  }
0x220: {  	_ =	sdelay $0x1  }
0x221: {  	s6 =	sadd.s32 $0x10, s5;
	s4 =	sadd.s32 $0x20, s5;
	v12 =	vmul.f32 v13, v12  }
0x222: {  	s1 =	sadd.s32 $0x30, s5;
	s7 =	sadd.s32 $0xFFFFFFFF, s31;
	s0 =	sadd.s32 $0x40, s5  }
.LBB2_29:
0x223: {  	p1 =	sne.s32 s7, $0x1;
	s7 =	sadd.s32 $0xFFFFFFFF, s7;
	[tilespmem:v11+s18+$0x0] =	vst.idx.add.f32.msk $0xffff, v12;
	s30 =	sadd.s32 $0x1, s30  }
0x224: {  	v11 =	vld [tilespmem:s30+$0x0];
	_ =	sdelay $0x4  }
0x225: {  	v12 =	vbroadcast v11, $0x0;
	(v2sf) =	vpush v11, $0x0;
	_ =	sdelay $0xe  }
0x226: {  	s8 =	spop (v2sf)  }
0x227: {  	s8 =	smul.u32 $0x50, s8  }
0x228: {  	v12 =	vld.idx.msk [tilespmem:v12+s21+$0x0], $0xffff  }
0x229: {  	v11 =	vld [tilespmem:s8+$0x0]  }
0x22a: {  	v13 =	vld [tilespmem:s8+$0x9C50];
	_ =	sdelay $0x4  }
0x22b: {  	v13 =	vmul.f32 v13, v12;
	_ =	sdelay $0x1  }
0x22c: {  	[tilespmem:v11+s18+$0x0] =	vst.idx.add.f32.msk $0xffff, v13  }
0x22d: {  	v11 =	vld [tilespmem:s8+$0x10]  }
0x22e: {  	v13 =	vld [tilespmem:s8+$0x9C60];
	_ =	sdelay $0x4  }
0x22f: {  	v13 =	vmul.f32 v13, v12;
	_ =	sdelay $0x1  }
0x230: {  	[tilespmem:v11+s18+$0x0] =	vst.idx.add.f32.msk $0xffff, v13  }
0x231: {  	v11 =	vld [tilespmem:s8+$0x20]  }
0x232: {  	v13 =	vld [tilespmem:s8+$0x9C70];
	_ =	sdelay $0x4  }
0x233: {  	v13 =	vmul.f32 v13, v12;
	_ =	sdelay $0x1  }
0x234: {  	[tilespmem:v11+s18+$0x0] =	vst.idx.add.f32.msk $0xffff, v13  }
0x235: {  	v11 =	vld [tilespmem:s8+$0x30]  }
0x236: {  	v13 =	vld [tilespmem:s8+$0x9C80];
	_ =	sdelay $0x4  }
0x237: {  	v13 =	vmul.f32 v13, v12;
	_ =	sdelay $0x1  }
0x238: {  	[tilespmem:v11+s18+$0x0] =	vst.idx.add.f32.msk $0xffff, v13  }
0x239: {  	v11 =	vld [tilespmem:s8+$0x40]  }
0x23a: {  	v13 =	vld [tilespmem:s8+$0x9C90]  }
.Ltmp18:
0x23b: {  	(pc) =	sbr.rel @p1 .LBB2_29-.Ltmp18, $2  }
0x23c: {  	_ =	sdelay $0x2  }
0x23d: {  	v12 =	vmul.f32 v13, v12  }
.Ltmp19:
0x23e: {  	_ = 	snop;
	(pc) =	sbr.rel .LBB2_30-.Ltmp19, $1  }
0x23f: {  	_ =	sdelay $0x3  }
.LBB2_16:
.Ltmp20:
0x240: {  	(pc) =	sbr.rel .LBB2_26-.Ltmp20, $2  }
0x241: {  	_ =	sdelay $0x2  }
0x242: {  	s5 =	simm.f32 $0.0e+00  }
.LBB2_18:
.Ltmp21:
0x243: {  	(pc) =	sbr.rel .LBB2_26-.Ltmp21, $2  }
0x244: {  	_ =	sdelay $0x2  }
0x245: {  	s5 =	simm.f32 $0.0e+00  }
.LBB2_20:
.Ltmp22:
0x246: {  	(pc) =	sbr.rel .LBB2_26-.Ltmp22, $2  }
0x247: {  	_ =	sdelay $0x2  }
0x248: {  	s5 =	simm.f32 $0.0e+00  }
.LBB2_22:
.Ltmp23:
0x249: {  	_ = 	snop;
	(pc) =	sbr.rel .LBB2_26-.Ltmp23, $3  }
0x24a: {  	_ =	sdelay $0x1  }
0x24b: {  	v26 =	vmovc v21;
	v30 =	vmov v22;
	v28 =	vmov v20;
	v29 =	vmov v23  }
0x24c: {  	s6 =	smov.u32 s7;
	s5 =	simm.f32 $0.0e+00;
	v14 =	vmovc v13;
	v15 =	vmovc v16;
	v25 =	vmov v18;
	v24 =	vmov v17;
	v27 =	vmov v19  }
.LBB2_24:
.Ltmp24:
0x24d: {  	(pc) =	sbr.rel .LBB2_26-.Ltmp24, $2  }
0x24e: {  	_ =	sdelay $0x2  }
0x24f: {  	s5 =	simm.f32 $0.0e+00  }
.LBB2_33:
0x250: {  	s0 =	simm.s32 $0x1A300  }
0x251: {  	v5 =	vld [tilespmem:s0+$0x0];
	_ =	sdelay $0x4  }
0x252: {  	vm2 =	vne.s32 v5, $0x0  }
0x253: {  	v5 =	vsel vm2, $0x1, v3  }
0x254: {  	(xrf0) =	vadd.scan.msk.s32 $0xffff, v5;
	v5 =	vmpcnt.ones.xlane vm2;
	_ =	sdelay $0x1  }
0x255: {  	v5 =	vxor.u32 $0x80000000, v5  }
0x256: {  	(xrf0) =	vmax.scan.msk.u32 $0xffff, v5;
	_ =	sdelay $0x1  }
0x257: {  	s0 =	simm.s32 $0x0  }
0x258: {  	v6 =	vmov s0  }
0x259: {  	v6 =	vadd.s32 $0xFFFFFFFF, v6  }
0x25a: {  	v6 =	vbroadcast v6, $0x0;
	v5, _, _ =	vpop (xrf0)  }
0x25b: {  	v7, _, _ =	vpop (xrf0)  }
0x25c: {  	v5 =	vadd.s32 v5, v6;
	(v2sf) =	vpush v7, $0xF;
	_ =	sdelay $0x3  }
0x25d: {  	v6 =	vor.u32 s0, v0  }
0x25e: {  	s2 =	simm.s32 $0x1A310;
	[tilespmem:v5+s24+$0x0] =	vst.idx.msk vm2, v6  }
0x25f: {  	s1 =	simm.s32 $0x10;
	s3 =	simm.s32 $0x20;
	v5 =	vld [tilespmem:s2+$0x0]  }
.LBB2_34:
0x260: {  	p0 =	sne.s32 s3, $0x1F0;
	_ =	sdelay $0x3  }
0x261: {  	vm2 =	vne.s32 v5, $0x0  }
0x262: {  	v5 =	vsel vm2, $0x1, v3;
	v6 =	vmpcnt.ones.xlane vm2;
	_ =	sdelay $0x1  }
0x263: {  	v6 =	vxor.u32 $0x80000000, v6;
	(xrf0) =	vadd.scan.msk.s32 $0xffff, v5  }
0x264: {  	(xrf0) =	vmax.scan.msk.u32 $0xffff, v6;
	s4 =	spop (v2sf)  }
0x265: {  	s0 =	sadd.s32 s4, s0  }
0x266: {  	s0 =	sadd.s32 $0x80000000, s0  }
0x267: {  	v5 =	vmov s0  }
0x268: {  	v5 =	vadd.s32 $0xFFFFFFFF, v5  }
0x269: {  	v5 =	vbroadcast v5, $0x0;
	v6, _, _ =	vpop (xrf0)  }
0x26a: {  	v7, _, _ =	vpop (xrf0)  }
0x26b: {  	v5 =	vadd.s32 v6, v5;
	(v2sf) =	vpush v7, $0xF;
	_ =	sdelay $0x1  }
.Ltmp25:
0x26c: {  	(pc) =	sbr.rel @p0 .LBB2_34-.Ltmp25, $4  }
0x26d: {  	_ = 	snop  }
0x26e: {  	v6 =	vor.u32 s1, v0;
	s1 =	smov.u32 s3  }
0x26f: {  	s2 =	sadd.s32 $0x10, s2;
	[tilespmem:v5+s24+$0x0] =	vst.idx.msk vm2, v6  }
0x270: {  	s3 =	sadd.s32 $0x10, s3;
	v5 =	vld [tilespmem:s2+$0x0]  }
0x271: {  	_ =	sdelay $0x3  }
0x272: {  	vm2 =	vne.s32 v5, $0x0  }
0x273: {  	v5 =	vmpcnt.ones.xlane vm2  }
0x274: {  	v6 =	vsel vm2, $0x1, v3  }
0x275: {  	(xrf0) =	vadd.scan.msk.s32 $0xffff, v6;
	v5 =	vxor.u32 $0x80000000, v5  }
0x276: {  	(xrf0) =	vmax.scan.msk.u32 $0xffff, v5;
	_ =	sdelay $0x4  }
0x277: {  	v5, _, _ =	vpop (xrf0)  }
0x278: {  	v6, _, _ =	vpop (xrf0)  }
0x279: {  	(v2sf) =	vpush v6, $0xF  }
0x27a: {  	s2 =	spop (v2sf)  }
0x27b: {  	s0 =	sadd.s32 s2, s0  }
0x27c: {  	s0 =	sadd.s32 $0x80000000, s0  }
0x27d: {  	v6 =	vmov s0  }
0x27e: {  	v6 =	vadd.s32 $0xFFFFFFFF, v6  }
0x27f: {  	v6 =	vbroadcast v6, $0x0;
	_ =	sdelay $0x1  }
0x280: {  	v5 =	vadd.s32 v5, v6;
	_ =	sdelay $0x3  }
0x281: {  	v6 =	vor.u32 s1, v0  }
0x282: {  	s30 =	rddreg [dreg:$0x9];
	s0 =	simm.s32 $0x0;
	[tilespmem:v5+s24+$0x0] =	vst.idx.msk vm2, v6  }
0x283: {  	[hbm4b:s30+s0] =	stream.linear.scatter [tilespmem:s24], [sflag:$0x1], $0x200, $0x38;
	[tilespmem:$0x1AB20] =	vst v63  }
0x284: {  	s29 =	spop (v2sf)  }
0x285: {  	_ =	swait.ge [sflag:s12], $0x200  }
0x286: {  	s25 =	sadd.s32 $0x1, s25;
	s31 =	rddreg [dreg:$0xb]  }
0x287: {  	p0 =	sne.s32 s25, s31  }
.Ltmp26:
0x288: {  	_ = 	snop;
	(pc) =	sbr.rel @p0 .LBB2_2-.Ltmp26, $3  }
0x289: {  	_ =	sdelay $0x1  }
0x28a: {  	[sflag:s12] =	ssyncset.done $0x0  }
0x28b: {  	[sflag:s12] =	ssyncadd.s32 $0xFFFFFE00  }
.LBB2_36:
0x28c: {  	_ =	sfence.sel $0x180000  }
0x28d: {  	[bflag:$0x0] =	sbarrier.arrive $0xFFFF  }
0x28e: {  	_ =	strace $0x90000047  }
0x28f: {  	s0 =	stileid.u32;
	[bflag:$0x2] =	sbarrier.arrive $0xFFFF  }
0x290: {  	p0 =	sne.s32 s0, $0x0;
	s0 =	rddreg [dreg:$0x2]  }
0x291: {  	s0 =	sadd.s32 @!p0 $0x100000, s0  }
0x292: {  	[sflag:s0] =	ssyncadd.tile.s32 @!p0 $0x1;
	_ =	shalt  }
.Lfunc_end2:
_tile_overlayer_lowered:
.L_overlay_start_2:
0x293: {  	(tag) =	ssettag $0x2  }
0x294: {  	s0 =	rddreg [dreg:$0x0];
	s2 =	stileid.u32  }
0x295: {  	s1 =	rddreg [dreg:$0x1];
	p0 =	sne.s32 s2, $0x0  }
0x296: {  	s3 =	rddreg [dreg:$0x2];
	[bflag:$0x3] =	sbarrier.arrive $0xFFFF;
	s2 =	simm.s32 @!p0 $0x1C01  }
0x297: {  	[timem:s3], [sflag:s2] =	dma.local @!p0 [hbm:s0], s1  }
0x298: {  	s0 =	simm.s32 @!p0 $0x1  }
0x299: {  	_ =	swait.ge @!p0 [sflag:s0], s1  }
0x29a: {  	s1 =	ssub.s32 @!p0 $0x0, s1;
	[sflag:s0] =	ssyncset.done @!p0 $0x0  }
0x29b: {  	[sflag:s0] =	ssyncadd.s32 @!p0 s1  }
0x29c: {  	[bflag:$0x3] =	sbarrier.arrive $0xFFFF  }
0x29d: {  	_ =	shalt  }

</sc_bundles>
